<compile_context>
chip_gen: v7x
topology: tpu7x:2x2x1
jax: 0.10.2.dev20260603
libtpu: 0.0.44.dev20260713+nightly
codegen_flags: <defaults>
</compile_context>

<pallas_src>
import functools

import jax
import jax.numpy as jnp
from jax import lax
from jax.experimental import pallas as pl
from jax.experimental.pallas import tpu as pltpu
from jax.experimental.pallas import tpu_sc as plsc

N = 10000
E = 320000
D = 128
NW = 32
CH = 128
NCH = 80
EPW = NCH * CH
EP = NW * EPW
NPAD = 10240
RPT = NPAD // 16
BR = 10000

_mesh = plsc.VectorSubcoreMesh(core_axis_name="c", subcore_axis_name="s")
_sc_params = pltpu.CompilerParams(use_tc_tiling_on_sc=False)



@functools.partial(
    pl.kernel,
    mesh=_mesh,
    out_type=jax.ShapeDtypeStruct((2, NPAD), jnp.float32),
    scratch_types=[
        pltpu.VMEM((NCH, CH), jnp.int32),
        pltpu.VMEM((CH,), jnp.float32),
        pltpu.VMEM((RPT,), jnp.float32),
        pltpu.VMEM_SHARED((NPAD,), jnp.float32),
        pltpu.SemaphoreType.DMA,
    ],
    compiler_params=_sc_params,
)
def _deg_sc(col_hbm, out_hbm, colv, ones_v, bounce, dacc, sem):
    c = lax.axis_index("c")
    s = lax.axis_index("s")
    wid = c * 16 + s
    pltpu.async_copy(col_hbm.at[wid], colv, sem)

    def fill_ones(i, _):
        ones_v[pl.ds(i * 16, 16)] = jnp.ones((16,), jnp.float32)
        return 0
    lax.fori_loop(0, CH // 16, fill_ones, 0)

    def fill_zero(i, _):
        bounce[pl.ds(i * 16, 16)] = jnp.zeros((16,), jnp.float32)
        return 0
    lax.fori_loop(0, RPT // 16, fill_zero, 0)

    pltpu.sync_copy(bounce, dacc.at[pl.ds(s * RPT, RPT)])
    pltpu.make_async_copy(col_hbm.at[wid], colv, sem).wait()
    plsc.subcore_barrier()

    def body(j, _):
        pltpu.async_copy(ones_v, dacc.at[colv.at[j]], sem, add=True)
        return 0
    lax.fori_loop(0, NCH, body, 0)

    def drain(j, _):
        pltpu.make_async_copy(ones_v, dacc.at[colv.at[j]], sem).wait()
        return 0
    lax.fori_loop(0, NCH, drain, 0)

    plsc.subcore_barrier()
    pltpu.sync_copy(dacc.at[pl.ds(s * RPT, RPT)], bounce)
    pltpu.sync_copy(bounce, out_hbm.at[c, pl.ds(s * RPT, RPT)])



DH = D // 2
NCH2 = 160
EPT = NCH2 * CH


NBUF = 5
LOOK = 4


@functools.partial(
    pl.kernel,
    mesh=_mesh,
    out_type=jax.ShapeDtypeStruct((2, NPAD, DH), jnp.float32),
    scratch_types=[
        pltpu.VMEM((NCH2, CH), jnp.int32),
        pltpu.VMEM((NCH2, CH), jnp.int32),
        [pltpu.VMEM((CH, DH), jnp.float32)] * NBUF,
        [pltpu.SemaphoreType.DMA] * NBUF,
        [pltpu.SemaphoreType.DMA] * NBUF,
        pltpu.VMEM_SHARED((NPAD, DH), jnp.float32),
    ],
    compiler_params=_sc_params,
)
def _edge_sc(y_hbm, row_hbm, col_hbm, out_hbm,
             rowv, colv, bufs, gsems, ssems, acc):
    c = lax.axis_index("c")
    s = lax.axis_index("s")
    pltpu.async_copy(row_hbm.at[c, s], rowv, gsems[0])
    pltpu.async_copy(col_hbm.at[s], colv, gsems[1])

    def zrow(i, _):
        def zcol(jj, _2):
            bufs[0][i, pl.ds(jj * 16, 16)] = jnp.zeros((16,), jnp.float32)
            return 0
        lax.fori_loop(0, DH // 16, zcol, 0)
        return 0
    lax.fori_loop(0, CH, zrow, 0)
    for k in range(RPT // CH):
        pltpu.async_copy(bufs[0], acc.at[pl.ds(s * RPT + k * CH, CH)],
                         ssems[k])
    for k in range(RPT // CH):
        pltpu.make_async_copy(bufs[0], acc.at[pl.ds(s * RPT + k * CH, CH)],
                              ssems[k]).wait()
    pltpu.make_async_copy(row_hbm.at[c, s], rowv, gsems[0]).wait()
    pltpu.make_async_copy(col_hbm.at[s], colv, gsems[1]).wait()
    plsc.subcore_barrier()

    for b in range(LOOK):
        pltpu.async_copy(y_hbm.at[rowv.at[b]], bufs[b], gsems[b])

    def group(g, _):
        for b in range(NBUF):
            j = NBUF * g + b
            bb = (b + LOOK) % NBUF

            @pl.when(j + LOOK < NCH2)
            def _():
                @pl.when(j + LOOK >= NBUF)
                def _():
                    pltpu.make_async_copy(
                        bufs[bb], acc.at[colv.at[j + LOOK - NBUF]],
                        ssems[bb]).wait()
                pltpu.async_copy(y_hbm.at[rowv.at[j + LOOK]], bufs[bb], gsems[bb])

            pltpu.make_async_copy(y_hbm.at[rowv.at[j]], bufs[b], gsems[b]).wait()
            pltpu.async_copy(bufs[b], acc.at[colv.at[j]], ssems[b], add=True)
        return 0
    lax.fori_loop(0, NCH2 // NBUF, group, 0)

    for j in range(NCH2 - NBUF, NCH2):
        pltpu.make_async_copy(bufs[j % NBUF], acc.at[colv.at[j]],
                              ssems[j % NBUF]).wait()

    plsc.subcore_barrier()

    for k in range(RPT // CH):
        r0 = s * RPT + k * CH
        pltpu.sync_copy(acc.at[pl.ds(r0, CH)], bufs[k])
        pltpu.async_copy(bufs[k], out_hbm.at[c, pl.ds(r0, CH)], ssems[k])
    for k in range(RPT // CH):
        r0 = s * RPT + k * CH
        pltpu.make_async_copy(bufs[k], out_hbm.at[c, pl.ds(r0, CH)],
                              ssems[k]).wait()



def _mm_body(emb_ref, w_ref, x_ref):
    x_ref[...] = jnp.dot(emb_ref[...], w_ref[...],
                         preferred_element_type=jnp.float32)



def _scale_body(x_ref, hist_ref, y_ref):
    deg = hist_ref[:, 0] + hist_ref[:, 1] + 1.0
    dinv = lax.rsqrt(deg)
    y_ref[...] = x_ref[...] * dinv[:, None]



def _fin_body(p_ref, y_ref, hist_ref, b_ref, o_ref):
    deg = hist_ref[:, 0] + hist_ref[:, 1] + 1.0
    dinv = lax.rsqrt(deg)
    ssum = jnp.concatenate([p_ref[0], p_ref[1]], axis=1) + y_ref[...]
    o_ref[...] = jnp.maximum(ssum * dinv[:, None] + b_ref[...], 0.0)


def kernel(node_emb, edge_index, W, b):
    row = edge_index[0].astype(jnp.int32)
    col = edge_index[1].astype(jnp.int32)
    npd = EP - E
    ar = jnp.arange(npd, dtype=jnp.int32)
    row_flat = jnp.concatenate([row, (ar * 131) % N])
    col_flat = jnp.concatenate([col, N + ar % (NPAD - N)])
    col_p = col_flat.reshape(NW, NCH, CH)
    col16 = col_flat.reshape(16, NCH2, CH)
    row16 = row_flat.reshape(16, NCH2, CH)
    row4 = 2 * row16[None] + jnp.arange(2, dtype=jnp.int32)[:, None, None, None]

    hist = _deg_sc(col_p)
    hist_t = jnp.swapaxes(hist, 0, 1)

    x = pl.pallas_call(
        _mm_body,
        grid=(N // BR,),
        in_specs=[
            pl.BlockSpec((BR, D), lambda i: (i, 0)),
            pl.BlockSpec((D, D), lambda i: (0, 0)),
        ],
        out_specs=pl.BlockSpec((BR, D), lambda i: (i, 0)),
        out_shape=jax.ShapeDtypeStruct((N, D), jnp.float32),
    )(node_emb, W)

    y = pl.pallas_call(
        _scale_body,
        grid=(N // BR,),
        in_specs=[
            pl.BlockSpec((BR, D), lambda i: (i, 0)),
            pl.BlockSpec((BR, 2), lambda i: (i, 0)),
        ],
        out_specs=pl.BlockSpec((BR, D), lambda i: (i, 0)),
        out_shape=jax.ShapeDtypeStruct((N, D), jnp.float32),
    )(x, hist_t)

    y2f = y.reshape(2 * N, DH)
    p = _edge_sc(y2f, row4, col16)

    out = pl.pallas_call(
        _fin_body,
        grid=(N // BR,),
        in_specs=[
            pl.BlockSpec((2, BR, DH), lambda i: (0, i, 0)),
            pl.BlockSpec((BR, D), lambda i: (i, 0)),
            pl.BlockSpec((BR, 2), lambda i: (i, 0)),
            pl.BlockSpec((1, D), lambda i: (0, 0)),
        ],
        out_specs=pl.BlockSpec((BR, D), lambda i: (i, 0)),
        out_shape=jax.ShapeDtypeStruct((N, D), jnp.float32),
    )(p, y, hist_t, b.reshape(1, D))
    return out

# --- scband reference (transcript-rebuilt; emitter-appended) ---
"""Pipeline reference for scband-gcn-test-73512660238663 (READ-ONLY COPY).

The authoritative reference and input builder live on the scoring server;
editing this copy changes nothing except your own understanding.
"""

import jax, jax.numpy as jnp
import numpy as np

N_NODES = 10000
N_EDGES = 320000
D_IN = 128
D_OUT = 128

def setup_inputs(seed: int = 0) -> dict:
    key = jax.random.key(seed)
    k1, k2, k3, k4 = jax.random.split(key, 4)
    node_emb = jax.random.normal(k1, (N_NODES, D_IN), dtype=jnp.float32)
    edge_index = jax.random.randint(k2, (2, N_EDGES), 0, N_NODES, dtype=jnp.int64)
    # GCNConv(in_channels=128, out_channels=128) learned params (glorot weight, zero bias)
    limit = float(np.sqrt(6.0 / (D_IN + D_OUT)))
    W = jax.random.uniform(k3, (D_IN, D_OUT), minval=-limit, maxval=limit, dtype=jnp.float32)
    b = jnp.zeros((D_OUT,), dtype=jnp.float32)
    return {"node_emb": node_emb, "edge_index": edge_index, "W": W, "b": b}

def reference(node_emb, edge_index, W, b):
    # Faithful PyG GCNConv(normalize=True, add_self_loops=True) forward, then ReLU.
    # Dropout is identity in eval mode.
    N = node_emb.shape[0]
    loops = jnp.arange(N, dtype=edge_index.dtype)
    row = jnp.concatenate([edge_index[0], loops])  # source
    col = jnp.concatenate([edge_index[1], loops])  # target
    edge_weight = jnp.ones(row.shape[0], dtype=node_emb.dtype)
    # symmetric normalization: deg computed at target index
    deg = jnp.zeros((N,), dtype=node_emb.dtype).at[col].add(edge_weight)
    deg_inv_sqrt = jnp.where(deg > 0, jax.lax.rsqrt(jnp.where(deg > 0, deg, 1.0)), 0.0)
    norm = deg_inv_sqrt[row] * edge_weight * deg_inv_sqrt[col]
    # linear transform then message passing (gather + scatter-add)
    x = node_emb @ W
    msg = x[row] * norm[:, None]
    out = jnp.zeros((N, x.shape[1]), dtype=x.dtype).at[col].add(msg)
    out = out + b
    out = jax.nn.relu(out)
    return out

if __name__ == "__main__":
    import jax
    _d = setup_inputs()
    print(jax.jit(kernel)(*tuple(_d.values())))

</pallas_src>

<mosaic_0001>
#map = affine_map<(d0, d1) -> (0, 0, 0)>
#map1 = affine_map<(d0, d1) -> (0, 0)>
module attributes {stable_mosaic.version = 14 : i64} {
  func.func @_deg_sc(%arg0: i32, %arg1: i32, %arg2: memref<32x80x128xi32, #tpu.memory_space<hbm>>, %arg3: memref<2x10240xf32, #tpu.memory_space<hbm>>, %arg4: memref<80x128xi32, #tpu.memory_space<vmem>>, %arg5: memref<128xf32, #tpu.memory_space<vmem>>, %arg6: memref<640xf32, #tpu.memory_space<vmem>>, %arg7: memref<10240xf32, #tpu.memory_space<vmem_shared>>, %arg8: memref<!tpu.dma_semaphore, #tpu.memory_space<semaphore_mem>>) attributes {dimension_semantics = [#tpu.dimension_semantics<core_parallel>, #tpu.dimension_semantics<subcore_parallel>], iteration_bounds = array<i64: 2, 16>, scalar_prefetch = 0 : i64, scratch_operands = 5 : i64, tpu.core_type = #tpu.core_type<sc_vector_subcore>, window_params = [{transform_indices = #map}, {transform_indices = #map1}]} {
    %mul3A = arith.constant 16 : i32
    %mul3A_0 = arith.muli %arg0, %mul3A : i32
    %add3A = arith.addi %mul3A_0, %arg1 : i32
    %dma_start3A = arith.constant 0 : i32
    %dma_start3A_1 = arith.constant 0 : i32
    %dma_start3A_2 = tpu.memref_slice %arg2[%add3A, %dma_start3A, %dma_start3A_1] : memref<32x80x128xi32, #tpu.memory_space<hbm>> -> memref<1x80x128xi32, #tpu.memory_space<hbm>>
    %dma_start3A_3 = tpu.memref_squeeze %dma_start3A_2 : memref<1x80x128xi32, #tpu.memory_space<hbm>> -> memref<80x128xi32, #tpu.memory_space<hbm>>
    %dma_start3A_4 = arith.constant 0 : i32
    %dma_start3A_5 = arith.constant 0 : i32
    %dma_start3A_6 = tpu.memref_slice %arg2[%add3A, %dma_start3A_4, %dma_start3A_5] : memref<32x80x128xi32, #tpu.memory_space<hbm>> -> memref<1x80x128xi32, #tpu.memory_space<hbm>>
    %dma_start3A_7 = tpu.memref_squeeze %dma_start3A_6 : memref<1x80x128xi32, #tpu.memory_space<hbm>> -> memref<80x128xi32, #tpu.memory_space<hbm>>
    tpu.enqueue_dma source(%dma_start3A_7 : memref<80x128xi32, #tpu.memory_space<hbm>>) target(%arg4 : memref<80x128xi32, #tpu.memory_space<vmem>>) target_semaphore(%arg8 : memref<!tpu.dma_semaphore, #tpu.memory_space<semaphore_mem>>)
    %scan3A = arith.constant 0 : i32
    %scan3A_8 = arith.constant 0 : i32
    %scan3A_9 = arith.constant 8 : i32
    %scan3A_10 = arith.addi %scan3A_8, %scan3A_9 : i32
    %scan3A_11 = arith.constant 1 : i32
    %scan3A_12 = scf.for %scan3A_49 = %scan3A_8 to %scan3A_10 step %scan3A_11 iter_args(%scan3A_50 = %scan3A) -> (i32)  : i32 {
      %broadcast_in_dim3A = arith.constant 1.000000e+00 : f32
      %broadcast_in_dim3A_51 = vector.broadcast %broadcast_in_dim3A : f32 to vector<16xf32>
      %mul3A_52 = arith.constant 16 : i32
      %mul3A_53 = arith.muli %scan3A_49, %mul3A_52 : i32
      %swap3A = arith.index_cast %mul3A_53 : i32 to index
      %swap3A_54 = tpu.vector_load %arg5[%swap3A] {strides = array<i32>} : memref<128xf32, #tpu.memory_space<vmem>>, vector<16xf32>,
      %swap3A_55 = vector.shape_cast %swap3A_54 : vector<16xf32> to vector<16xf32>
      %swap3A_56 = vector.shape_cast %broadcast_in_dim3A_51 : vector<16xf32> to vector<16xf32>
      tpu.vector_store %arg5[%swap3A], %swap3A_56 {strides = array<i32>} : memref<128xf32, #tpu.memory_space<vmem>>, vector<16xf32>,
      %scan3A_57 = arith.constant 0 : i32
      scf.yield %scan3A_57 : i32
    }
    %scan3A_13 = arith.constant 8 : i32
    %scan3A_14 = arith.constant 0 : i32
    %scan3A_15 = arith.constant 0 : i32
    %scan3A_16 = arith.constant 40 : i32
    %scan3A_17 = arith.addi %scan3A_15, %scan3A_16 : i32
    %scan3A_18 = arith.constant 1 : i32
    %scan3A_19 = scf.for %scan3A_49 = %scan3A_15 to %scan3A_17 step %scan3A_18 iter_args(%scan3A_50 = %scan3A_14) -> (i32)  : i32 {
      %broadcast_in_dim3A = arith.constant 0.000000e+00 : f32
      %broadcast_in_dim3A_51 = vector.broadcast %broadcast_in_dim3A : f32 to vector<16xf32>
      %mul3A_52 = arith.constant 16 : i32
      %mul3A_53 = arith.muli %scan3A_49, %mul3A_52 : i32
      %swap3A = arith.index_cast %mul3A_53 : i32 to index
      %swap3A_54 = tpu.vector_load %arg6[%swap3A] {strides = array<i32>} : memref<640xf32, #tpu.memory_space<vmem>>, vector<16xf32>,
      %swap3A_55 = vector.shape_cast %swap3A_54 : vector<16xf32> to vector<16xf32>
      %swap3A_56 = vector.shape_cast %broadcast_in_dim3A_51 : vector<16xf32> to vector<16xf32>
      tpu.vector_store %arg6[%swap3A], %swap3A_56 {strides = array<i32>} : memref<640xf32, #tpu.memory_space<vmem>>, vector<16xf32>,
      %scan3A_57 = arith.constant 0 : i32
      scf.yield %scan3A_57 : i32
    }
    %scan3A_20 = arith.constant 40 : i32
    %mul3A_21 = arith.constant 640 : i32
    %mul3A_22 = arith.muli %arg1, %mul3A_21 : i32
    "tpu.region"() ({
      %run_scoped3A = tpu.sem_alloc : memref<!tpu.dma_semaphore, #tpu.memory_space<semaphore_mem>>
      %dma_start3A_49 = tpu.memref_slice %arg7[%mul3A_22] : memref<10240xf32, #tpu.memory_space<vmem_shared>> -> memref<640xf32, #tpu.memory_space<vmem_shared>>
      %dma_start3A_50 = tpu.memref_slice %arg7[%mul3A_22] : memref<10240xf32, #tpu.memory_space<vmem_shared>> -> memref<640xf32, #tpu.memory_space<vmem_shared>>
      tpu.enqueue_dma source(%arg6 : memref<640xf32, #tpu.memory_space<vmem>>) target(%dma_start3A_50 : memref<640xf32, #tpu.memory_space<vmem_shared>>) target_semaphore(%run_scoped3A : memref<!tpu.dma_semaphore, #tpu.memory_space<semaphore_mem>>)
      %dma_wait3A_51 = tpu.memref_slice %arg7[%mul3A_22] : memref<10240xf32, #tpu.memory_space<vmem_shared>> -> memref<640xf32, #tpu.memory_space<vmem_shared>>
      %dma_wait3A_52 = tpu.memref_slice %arg7[%mul3A_22] : memref<10240xf32, #tpu.memory_space<vmem_shared>> -> memref<640xf32, #tpu.memory_space<vmem_shared>>
      tpu.wait_dma2 semaphore(%run_scoped3A : memref<!tpu.dma_semaphore, #tpu.memory_space<semaphore_mem>>) src(%arg6 : memref<640xf32, #tpu.memory_space<vmem>>) dst(%dma_wait3A_52 : memref<640xf32, #tpu.memory_space<vmem_shared>>)
      tpu.yield
    }) : () -> ()
    %dma_wait3A = arith.constant 0 : i32
    %dma_wait3A_23 = arith.constant 0 : i32
    %dma_wait3A_24 = tpu.memref_slice %arg2[%add3A, %dma_wait3A, %dma_wait3A_23] : memref<32x80x128xi32, #tpu.memory_space<hbm>> -> memref<1x80x128xi32, #tpu.memory_space<hbm>>
    %dma_wait3A_25 = tpu.memref_squeeze %dma_wait3A_24 : memref<1x80x128xi32, #tpu.memory_space<hbm>> -> memref<80x128xi32, #tpu.memory_space<hbm>>
    %dma_wait3A_26 = arith.constant 0 : i32
    %dma_wait3A_27 = arith.constant 0 : i32
    %dma_wait3A_28 = tpu.memref_slice %arg2[%add3A, %dma_wait3A_26, %dma_wait3A_27] : memref<32x80x128xi32, #tpu.memory_space<hbm>> -> memref<1x80x128xi32, #tpu.memory_space<hbm>>
    %dma_wait3A_29 = tpu.memref_squeeze %dma_wait3A_28 : memref<1x80x128xi32, #tpu.memory_space<hbm>> -> memref<80x128xi32, #tpu.memory_space<hbm>>
    tpu.wait_dma2 semaphore(%arg8 : memref<!tpu.dma_semaphore, #tpu.memory_space<semaphore_mem>>) src(%dma_wait3A_29 : memref<80x128xi32, #tpu.memory_space<hbm>>) dst(%arg4 : memref<80x128xi32, #tpu.memory_space<vmem>>)
    %barrier3A = arith.constant 0 : index
    tpu.barrier barrier_id(%barrier3A)
    %scan3A_30 = arith.constant 0 : i32
    %scan3A_31 = arith.constant 0 : i32
    %scan3A_32 = arith.constant 80 : i32
    %scan3A_33 = arith.addi %scan3A_31, %scan3A_32 : i32
    %scan3A_34 = arith.constant 1 : i32
    %scan3A_35 = scf.for %scan3A_49 = %scan3A_31 to %scan3A_33 step %scan3A_34 iter_args(%scan3A_50 = %scan3A_30) -> (i32)  : i32 {
      %dma_start3A_51 = arith.constant 0 : i32
      %dma_start3A_52 = tpu.memref_slice %arg4[%scan3A_49, %dma_start3A_51] : memref<80x128xi32, #tpu.memory_space<vmem>> -> memref<1x128xi32, #tpu.memory_space<vmem>>
      %dma_start3A_53 = tpu.memref_squeeze %dma_start3A_52 : memref<1x128xi32, #tpu.memory_space<vmem>> -> memref<128xi32, #tpu.memory_space<vmem>>
      %dma_start3A_54 = arith.constant 0 : i32
      %dma_start3A_55 = tpu.memref_slice %arg7[%dma_start3A_54] : memref<10240xf32, #tpu.memory_space<vmem_shared>> -> memref<10240xf32, #tpu.memory_space<vmem_shared>>
      tpu.enqueue_indirect_dma source(%arg5 : memref<128xf32, #tpu.memory_space<vmem>>) target(%dma_start3A_55 : memref<10240xf32, #tpu.memory_space<vmem_shared>>) offsets(%dma_start3A_53 : memref<128xi32, #tpu.memory_space<vmem>>) semaphore(%arg8 : memref<!tpu.dma_semaphore, #tpu.memory_space<semaphore_mem>>) {add = true}
      %scan3A_56 = arith.constant 0 : i32
      scf.yield %scan3A_56 : i32
    }
    %scan3A_36 = arith.constant 80 : i32
    %scan3A_37 = arith.constant 0 : i32
    %scan3A_38 = arith.constant 0 : i32
    %scan3A_39 = arith.constant 80 : i32
    %scan3A_40 = arith.addi %scan3A_38, %scan3A_39 : i32
    %scan3A_41 = arith.constant 1 : i32
    %scan3A_42 = scf.for %scan3A_49 = %scan3A_38 to %scan3A_40 step %scan3A_41 iter_args(%scan3A_50 = %scan3A_37) -> (i32)  : i32 {
      %dma_wait3A_51 = arith.constant 0 : i32
      %dma_wait3A_52 = tpu.memref_slice %arg4[%scan3A_49, %dma_wait3A_51] : memref<80x128xi32, #tpu.memory_space<vmem>> -> memref<1x128xi32, #tpu.memory_space<vmem>>
      %dma_wait3A_53 = tpu.memref_squeeze %dma_wait3A_52 : memref<1x128xi32, #tpu.memory_space<vmem>> -> memref<128xi32, #tpu.memory_space<vmem>>
      %dma_wait3A_54 = arith.constant 0 : i32
      %dma_wait3A_55 = tpu.memref_slice %arg7[%dma_wait3A_54] : memref<10240xf32, #tpu.memory_space<vmem_shared>> -> memref<10240xf32, #tpu.memory_space<vmem_shared>>
      tpu.wait_indirect_dma semaphore(%arg8 : memref<!tpu.dma_semaphore, #tpu.memory_space<semaphore_mem>>) src(%arg5 : memref<128xf32, #tpu.memory_space<vmem>>) dst(%dma_wait3A_55 : memref<10240xf32, #tpu.memory_space<vmem_shared>>)
      %scan3A_56 = arith.constant 0 : i32
      scf.yield %scan3A_56 : i32
    }
    %scan3A_43 = arith.constant 80 : i32
    %barrier3A_44 = arith.constant 0 : index
    tpu.barrier barrier_id(%barrier3A_44)
    %mul3A_45 = arith.constant 640 : i32
    %mul3A_46 = arith.muli %arg1, %mul3A_45 : i32
    "tpu.region"() ({
      %run_scoped3A = tpu.sem_alloc : memref<!tpu.dma_semaphore, #tpu.memory_space<semaphore_mem>>
      %dma_start3A_49 = tpu.memref_slice %arg7[%mul3A_46] : memref<10240xf32, #tpu.memory_space<vmem_shared>> -> memref<640xf32, #tpu.memory_space<vmem_shared>>
      %dma_start3A_50 = tpu.memref_slice %arg7[%mul3A_46] : memref<10240xf32, #tpu.memory_space<vmem_shared>> -> memref<640xf32, #tpu.memory_space<vmem_shared>>
      tpu.enqueue_dma source(%dma_start3A_50 : memref<640xf32, #tpu.memory_space<vmem_shared>>) target(%arg6 : memref<640xf32, #tpu.memory_space<vmem>>) target_semaphore(%run_scoped3A : memref<!tpu.dma_semaphore, #tpu.memory_space<semaphore_mem>>)
      %dma_wait3A_51 = tpu.memref_slice %arg7[%mul3A_46] : memref<10240xf32, #tpu.memory_space<vmem_shared>> -> memref<640xf32, #tpu.memory_space<vmem_shared>>
      %dma_wait3A_52 = tpu.memref_slice %arg7[%mul3A_46] : memref<10240xf32, #tpu.memory_space<vmem_shared>> -> memref<640xf32, #tpu.memory_space<vmem_shared>>
      tpu.wait_dma2 semaphore(%run_scoped3A : memref<!tpu.dma_semaphore, #tpu.memory_space<semaphore_mem>>) src(%dma_wait3A_52 : memref<640xf32, #tpu.memory_space<vmem_shared>>) dst(%arg6 : memref<640xf32, #tpu.memory_space<vmem>>)
      tpu.yield
    }) : () -> ()
    %mul3A_47 = arith.constant 640 : i32
    %mul3A_48 = arith.muli %arg1, %mul3A_47 : i32
    "tpu.region"() ({
      %run_scoped3A = tpu.sem_alloc : memref<!tpu.dma_semaphore, #tpu.memory_space<semaphore_mem>>
      %dma_start3A_49 = tpu.memref_slice %arg3[%arg0, %mul3A_48] : memref<2x10240xf32, #tpu.memory_space<hbm>> -> memref<1x640xf32, #tpu.memory_space<hbm>>
      %dma_start3A_50 = tpu.memref_squeeze %dma_start3A_49 : memref<1x640xf32, #tpu.memory_space<hbm>> -> memref<640xf32, #tpu.memory_space<hbm>>
      %dma_start3A_51 = tpu.memref_slice %arg3[%arg0, %mul3A_48] : memref<2x10240xf32, #tpu.memory_space<hbm>> -> memref<1x640xf32, #tpu.memory_space<hbm>>
      %dma_start3A_52 = tpu.memref_squeeze %dma_start3A_51 : memref<1x640xf32, #tpu.memory_space<hbm>> -> memref<640xf32, #tpu.memory_space<hbm>>
      tpu.enqueue_dma source(%arg6 : memref<640xf32, #tpu.memory_space<vmem>>) target(%dma_start3A_52 : memref<640xf32, #tpu.memory_space<hbm>>) target_semaphore(%run_scoped3A : memref<!tpu.dma_semaphore, #tpu.memory_space<semaphore_mem>>)
      %dma_wait3A_53 = tpu.memref_slice %arg3[%arg0, %mul3A_48] : memref<2x10240xf32, #tpu.memory_space<hbm>> -> memref<1x640xf32, #tpu.memory_space<hbm>>
      %dma_wait3A_54 = tpu.memref_squeeze %dma_wait3A_53 : memref<1x640xf32, #tpu.memory_space<hbm>> -> memref<640xf32, #tpu.memory_space<hbm>>
      %dma_wait3A_55 = tpu.memref_slice %arg3[%arg0, %mul3A_48] : memref<2x10240xf32, #tpu.memory_space<hbm>> -> memref<1x640xf32, #tpu.memory_space<hbm>>
      %dma_wait3A_56 = tpu.memref_squeeze %dma_wait3A_55 : memref<1x640xf32, #tpu.memory_space<hbm>> -> memref<640xf32, #tpu.memory_space<hbm>>
      tpu.wait_dma2 semaphore(%run_scoped3A : memref<!tpu.dma_semaphore, #tpu.memory_space<semaphore_mem>>) src(%arg6 : memref<640xf32, #tpu.memory_space<vmem>>) dst(%dma_wait3A_56 : memref<640xf32, #tpu.memory_space<hbm>>)
      tpu.yield
    }) : () -> ()
    return
  }
}

#map = affine_map<(d0, d1) -> (0, 0)>
#map1 = affine_map<(d0, d1) -> (0, 0, 0, 0)>
#map2 = affine_map<(d0, d1) -> (0, 0, 0)>
module attributes {stable_mosaic.version = 14 : i64} {
  func.func @_edge_sc(%arg0: i32, %arg1: i32, %arg2: memref<20000x64xf32, #tpu.memory_space<hbm>>, %arg3: memref<2x16x160x128xi32, #tpu.memory_space<hbm>>, %arg4: memref<16x160x128xi32, #tpu.memory_space<hbm>>, %arg5: memref<2x10240x64xf32, #tpu.memory_space<hbm>>, %arg6: memref<160x128xi32, #tpu.memory_space<vmem>>, %arg7: memref<160x128xi32, #tpu.memory_space<vmem>>, %arg8: memref<128x64xf32, #tpu.memory_space<vmem>>, %arg9: memref<128x64xf32, #tpu.memory_space<vmem>>, %arg10: memref<128x64xf32, #tpu.memory_space<vmem>>, %arg11: memref<128x64xf32, #tpu.memory_space<vmem>>, %arg12: memref<128x64xf32, #tpu.memory_space<vmem>>, %arg13: memref<!tpu.dma_semaphore, #tpu.memory_space<semaphore_mem>>, %arg14: memref<!tpu.dma_semaphore, #tpu.memory_space<semaphore_mem>>, %arg15: memref<!tpu.dma_semaphore, #tpu.memory_space<semaphore_mem>>, %arg16: memref<!tpu.dma_semaphore, #tpu.memory_space<semaphore_mem>>, %arg17: memref<!tpu.dma_semaphore, #tpu.memory_space<semaphore_mem>>, %arg18: memref<!tpu.dma_semaphore, #tpu.memory_space<semaphore_mem>>, %arg19: memref<!tpu.dma_semaphore, #tpu.memory_space<semaphore_mem>>, %arg20: memref<!tpu.dma_semaphore, #tpu.memory_space<semaphore_mem>>, %arg21: memref<!tpu.dma_semaphore, #tpu.memory_space<semaphore_mem>>, %arg22: memref<!tpu.dma_semaphore, #tpu.memory_space<semaphore_mem>>, %arg23: memref<10240x64xf32, #tpu.memory_space<vmem_shared>>) attributes {dimension_semantics = [#tpu.dimension_semantics<core_parallel>, #tpu.dimension_semantics<subcore_parallel>], iteration_bounds = array<i64: 2, 16>, scalar_prefetch = 0 : i64, scratch_operands = 18 : i64, tpu.core_type = #tpu.core_type<sc_vector_subcore>, window_params = [{transform_indices = #map}, {transform_indices = #map1}, {transform_indices = #map2}, {transform_indices = #map2}]} {
    %dma_start3A = arith.constant 0 : i32
    %dma_start3A_0 = arith.constant 0 : i32
    %dma_start3A_1 = tpu.memref_slice %arg3[%arg0, %arg1, %dma_start3A, %dma_start3A_0] : memref<2x16x160x128xi32, #tpu.memory_space<hbm>> -> memref<1x1x160x128xi32, #tpu.memory_space<hbm>>
    %dma_start3A_2 = tpu.memref_squeeze %dma_start3A_1 : memref<1x1x160x128xi32, #tpu.memory_space<hbm>> -> memref<160x128xi32, #tpu.memory_space<hbm>>
    %dma_start3A_3 = arith.constant 0 : i32
    %dma_start3A_4 = arith.constant 0 : i32
    %dma_start3A_5 = tpu.memref_slice %arg3[%arg0, %arg1, %dma_start3A_3, %dma_start3A_4] : memref<2x16x160x128xi32, #tpu.memory_space<hbm>> -> memref<1x1x160x128xi32, #tpu.memory_space<hbm>>
    %dma_start3A_6 = tpu.memref_squeeze %dma_start3A_5 : memref<1x1x160x128xi32, #tpu.memory_space<hbm>> -> memref<160x128xi32, #tpu.memory_space<hbm>>
    tpu.enqueue_dma source(%dma_start3A_6 : memref<160x128xi32, #tpu.memory_space<hbm>>) target(%arg6 : memref<160x128xi32, #tpu.memory_space<vmem>>) target_semaphore(%arg13 : memref<!tpu.dma_semaphore, #tpu.memory_space<semaphore_mem>>)
    %dma_start3A_7 = arith.constant 0 : i32
    %dma_start3A_8 = arith.constant 0 : i32
    %dma_start3A_9 = tpu.memref_slice %arg4[%arg1, %dma_start3A_7, %dma_start3A_8] : memref<16x160x128xi32, #tpu.memory_space<hbm>> -> memref<1x160x128xi32, #tpu.memory_space<hbm>>
    %dma_start3A_10 = tpu.memref_squeeze %dma_start3A_9 : memref<1x160x128xi32, #tpu.memory_space<hbm>> -> memref<160x128xi32, #tpu.memory_space<hbm>>
    %dma_start3A_11 = arith.constant 0 : i32
    %dma_start3A_12 = arith.constant 0 : i32
    %dma_start3A_13 = tpu.memref_slice %arg4[%arg1, %dma_start3A_11, %dma_start3A_12] : memref<16x160x128xi32, #tpu.memory_space<hbm>> -> memref<1x160x128xi32, #tpu.memory_space<hbm>>
    %dma_start3A_14 = tpu.memref_squeeze %dma_start3A_13 : memref<1x160x128xi32, #tpu.memory_space<hbm>> -> memref<160x128xi32, #tpu.memory_space<hbm>>
    tpu.enqueue_dma source(%dma_start3A_14 : memref<160x128xi32, #tpu.memory_space<hbm>>) target(%arg7 : memref<160x128xi32, #tpu.memory_space<vmem>>) target_semaphore(%arg14 : memref<!tpu.dma_semaphore, #tpu.memory_space<semaphore_mem>>)
    %scan3A = arith.constant 0 : i32
    %scan3A_15 = arith.constant 0 : i32
    %scan3A_16 = arith.constant 128 : i32
    %scan3A_17 = arith.addi %scan3A_15, %scan3A_16 : i32
    %scan3A_18 = arith.constant 1 : i32
    %scan3A_19 = scf.for %scan3A_285 = %scan3A_15 to %scan3A_17 step %scan3A_18 iter_args(%scan3A_286 = %scan3A) -> (i32)  : i32 {
      %scan3A_287 = arith.constant 0 : i32
      %scan3A_288 = arith.constant 0 : i32
      %scan3A_289 = arith.constant 4 : i32
      %scan3A_290 = arith.addi %scan3A_288, %scan3A_289 : i32
      %scan3A_291 = arith.constant 1 : i32
      %scan3A_292 = scf.for %scan3A_295 = %scan3A_288 to %scan3A_290 step %scan3A_291 iter_args(%scan3A_296 = %scan3A_287) -> (i32)  : i32 {
        %broadcast_in_dim3A = arith.constant 0.000000e+00 : f32
        %broadcast_in_dim3A_297 = vector.broadcast %broadcast_in_dim3A : f32 to vector<16xf32>
        %mul3A_298 = arith.constant 16 : i32
        %mul3A_299 = arith.muli %scan3A_295, %mul3A_298 : i32
        %swap3A = arith.index_cast %scan3A_285 : i32 to index
        %swap3A_300 = arith.index_cast %mul3A_299 : i32 to index
        %swap3A_301 = tpu.vector_load %arg8[%swap3A, %swap3A_300] {strides = array<i32>} : memref<128x64xf32, #tpu.memory_space<vmem>>, vector<1x16xf32>,
        %swap3A_302 = vector.shape_cast %swap3A_301 : vector<1x16xf32> to vector<16xf32>
        %swap3A_303 = vector.shape_cast %broadcast_in_dim3A_297 : vector<16xf32> to vector<1x16xf32>
        tpu.vector_store %arg8[%swap3A, %swap3A_300], %swap3A_303 {strides = array<i32>} : memref<128x64xf32, #tpu.memory_space<vmem>>, vector<1x16xf32>,
        %scan3A_304 = arith.constant 0 : i32
        scf.yield %scan3A_304 : i32
      }
      %scan3A_293 = arith.constant 4 : i32
      %scan3A_294 = arith.constant 0 : i32
      scf.yield %scan3A_294 : i32
    }
    %scan3A_20 = arith.constant 128 : i32
    %mul3A = arith.constant 640 : i32
    %mul3A_21 = arith.muli %arg1, %mul3A : i32
    %add3A = arith.constant 0 : i32
    %add3A_22 = arith.addi %mul3A_21, %add3A : i32
    %dma_start3A_23 = arith.constant 0 : i32
    %dma_start3A_24 = tpu.memref_slice %arg23[%add3A_22, %dma_start3A_23] : memref<10240x64xf32, #tpu.memory_space<vmem_shared>> -> memref<128x64xf32, #tpu.memory_space<vmem_shared>>
    %dma_start3A_25 = arith.constant 0 : i32
    %dma_start3A_26 = tpu.memref_slice %arg23[%add3A_22, %dma_start3A_25] : memref<10240x64xf32, #tpu.memory_space<vmem_shared>> -> memref<128x64xf32, #tpu.memory_space<vmem_shared>>
    tpu.enqueue_dma source(%arg8 : memref<128x64xf32, #tpu.memory_space<vmem>>) target(%dma_start3A_26 : memref<128x64xf32, #tpu.memory_space<vmem_shared>>) target_semaphore(%arg18 : memref<!tpu.dma_semaphore, #tpu.memory_space<semaphore_mem>>)
    %mul3A_27 = arith.constant 640 : i32
    %mul3A_28 = arith.muli %arg1, %mul3A_27 : i32
    %add3A_29 = arith.constant 128 : i32
    %add3A_30 = arith.addi %mul3A_28, %add3A_29 : i32
    %dma_start3A_31 = arith.constant 0 : i32
    %dma_start3A_32 = tpu.memref_slice %arg23[%add3A_30, %dma_start3A_31] : memref<10240x64xf32, #tpu.memory_space<vmem_shared>> -> memref<128x64xf32, #tpu.memory_space<vmem_shared>>
    %dma_start3A_33 = arith.constant 0 : i32
    %dma_start3A_34 = tpu.memref_slice %arg23[%add3A_30, %dma_start3A_33] : memref<10240x64xf32, #tpu.memory_space<vmem_shared>> -> memref<128x64xf32, #tpu.memory_space<vmem_shared>>
    tpu.enqueue_dma source(%arg8 : memref<128x64xf32, #tpu.memory_space<vmem>>) target(%dma_start3A_34 : memref<128x64xf32, #tpu.memory_space<vmem_shared>>) target_semaphore(%arg19 : memref<!tpu.dma_semaphore, #tpu.memory_space<semaphore_mem>>)
    %mul3A_35 = arith.constant 640 : i32
    %mul3A_36 = arith.muli %arg1, %mul3A_35 : i32
    %add3A_37 = arith.constant 256 : i32
    %add3A_38 = arith.addi %mul3A_36, %add3A_37 : i32
    %dma_start3A_39 = arith.constant 0 : i32
    %dma_start3A_40 = tpu.memref_slice %arg23[%add3A_38, %dma_start3A_39] : memref<10240x64xf32, #tpu.memory_space<vmem_shared>> -> memref<128x64xf32, #tpu.memory_space<vmem_shared>>
    %dma_start3A_41 = arith.constant 0 : i32
    %dma_start3A_42 = tpu.memref_slice %arg23[%add3A_38, %dma_start3A_41] : memref<10240x64xf32, #tpu.memory_space<vmem_shared>> -> memref<128x64xf32, #tpu.memory_space<vmem_shared>>
    tpu.enqueue_dma source(%arg8 : memref<128x64xf32, #tpu.memory_space<vmem>>) target(%dma_start3A_42 : memref<128x64xf32, #tpu.memory_space<vmem_shared>>) target_semaphore(%arg20 : memref<!tpu.dma_semaphore, #tpu.memory_space<semaphore_mem>>)
    %mul3A_43 = arith.constant 640 : i32
    %mul3A_44 = arith.muli %arg1, %mul3A_43 : i32
    %add3A_45 = arith.constant 384 : i32
    %add3A_46 = arith.addi %mul3A_44, %add3A_45 : i32
    %dma_start3A_47 = arith.constant 0 : i32
    %dma_start3A_48 = tpu.memref_slice %arg23[%add3A_46, %dma_start3A_47] : memref<10240x64xf32, #tpu.memory_space<vmem_shared>> -> memref<128x64xf32, #tpu.memory_space<vmem_shared>>
    %dma_start3A_49 = arith.constant 0 : i32
    %dma_start3A_50 = tpu.memref_slice %arg23[%add3A_46, %dma_start3A_49] : memref<10240x64xf32, #tpu.memory_space<vmem_shared>> -> memref<128x64xf32, #tpu.memory_space<vmem_shared>>
    tpu.enqueue_dma source(%arg8 : memref<128x64xf32, #tpu.memory_space<vmem>>) target(%dma_start3A_50 : memref<128x64xf32, #tpu.memory_space<vmem_shared>>) target_semaphore(%arg21 : memref<!tpu.dma_semaphore, #tpu.memory_space<semaphore_mem>>)
    %mul3A_51 = arith.constant 640 : i32
    %mul3A_52 = arith.muli %arg1, %mul3A_51 : i32
    %add3A_53 = arith.constant 512 : i32
    %add3A_54 = arith.addi %mul3A_52, %add3A_53 : i32
    %dma_start3A_55 = arith.constant 0 : i32
    %dma_start3A_56 = tpu.memref_slice %arg23[%add3A_54, %dma_start3A_55] : memref<10240x64xf32, #tpu.memory_space<vmem_shared>> -> memref<128x64xf32, #tpu.memory_space<vmem_shared>>
    %dma_start3A_57 = arith.constant 0 : i32
    %dma_start3A_58 = tpu.memref_slice %arg23[%add3A_54, %dma_start3A_57] : memref<10240x64xf32, #tpu.memory_space<vmem_shared>> -> memref<128x64xf32, #tpu.memory_space<vmem_shared>>
    tpu.enqueue_dma source(%arg8 : memref<128x64xf32, #tpu.memory_space<vmem>>) target(%dma_start3A_58 : memref<128x64xf32, #tpu.memory_space<vmem_shared>>) target_semaphore(%arg22 : memref<!tpu.dma_semaphore, #tpu.memory_space<semaphore_mem>>)
    %mul3A_59 = arith.constant 640 : i32
    %mul3A_60 = arith.muli %arg1, %mul3A_59 : i32
    %add3A_61 = arith.constant 0 : i32
    %add3A_62 = arith.addi %mul3A_60, %add3A_61 : i32
    %dma_wait3A = arith.constant 0 : i32
    %dma_wait3A_63 = tpu.memref_slice %arg23[%add3A_62, %dma_wait3A] : memref<10240x64xf32, #tpu.memory_space<vmem_shared>> -> memref<128x64xf32, #tpu.memory_space<vmem_shared>>
    %dma_wait3A_64 = arith.constant 0 : i32
    %dma_wait3A_65 = tpu.memref_slice %arg23[%add3A_62, %dma_wait3A_64] : memref<10240x64xf32, #tpu.memory_space<vmem_shared>> -> memref<128x64xf32, #tpu.memory_space<vmem_shared>>
    tpu.wait_dma2 semaphore(%arg18 : memref<!tpu.dma_semaphore, #tpu.memory_space<semaphore_mem>>) src(%arg8 : memref<128x64xf32, #tpu.memory_space<vmem>>) dst(%dma_wait3A_65 : memref<128x64xf32, #tpu.memory_space<vmem_shared>>)
    %mul3A_66 = arith.constant 640 : i32
    %mul3A_67 = arith.muli %arg1, %mul3A_66 : i32
    %add3A_68 = arith.constant 128 : i32
    %add3A_69 = arith.addi %mul3A_67, %add3A_68 : i32
    %dma_wait3A_70 = arith.constant 0 : i32
    %dma_wait3A_71 = tpu.memref_slice %arg23[%add3A_69, %dma_wait3A_70] : memref<10240x64xf32, #tpu.memory_space<vmem_shared>> -> memref<128x64xf32, #tpu.memory_space<vmem_shared>>
    %dma_wait3A_72 = arith.constant 0 : i32
    %dma_wait3A_73 = tpu.memref_slice %arg23[%add3A_69, %dma_wait3A_72] : memref<10240x64xf32, #tpu.memory_space<vmem_shared>> -> memref<128x64xf32, #tpu.memory_space<vmem_shared>>
    tpu.wait_dma2 semaphore(%arg19 : memref<!tpu.dma_semaphore, #tpu.memory_space<semaphore_mem>>) src(%arg8 : memref<128x64xf32, #tpu.memory_space<vmem>>) dst(%dma_wait3A_73 : memref<128x64xf32, #tpu.memory_space<vmem_shared>>)
    %mul3A_74 = arith.constant 640 : i32
    %mul3A_75 = arith.muli %arg1, %mul3A_74 : i32
    %add3A_76 = arith.constant 256 : i32
    %add3A_77 = arith.addi %mul3A_75, %add3A_76 : i32
    %dma_wait3A_78 = arith.constant 0 : i32
    %dma_wait3A_79 = tpu.memref_slice %arg23[%add3A_77, %dma_wait3A_78] : memref<10240x64xf32, #tpu.memory_space<vmem_shared>> -> memref<128x64xf32, #tpu.memory_space<vmem_shared>>
    %dma_wait3A_80 = arith.constant 0 : i32
    %dma_wait3A_81 = tpu.memref_slice %arg23[%add3A_77, %dma_wait3A_80] : memref<10240x64xf32, #tpu.memory_space<vmem_shared>> -> memref<128x64xf32, #tpu.memory_space<vmem_shared>>
    tpu.wait_dma2 semaphore(%arg20 : memref<!tpu.dma_semaphore, #tpu.memory_space<semaphore_mem>>) src(%arg8 : memref<128x64xf32, #tpu.memory_space<vmem>>) dst(%dma_wait3A_81 : memref<128x64xf32, #tpu.memory_space<vmem_shared>>)
    %mul3A_82 = arith.constant 640 : i32
    %mul3A_83 = arith.muli %arg1, %mul3A_82 : i32
    %add3A_84 = arith.constant 384 : i32
    %add3A_85 = arith.addi %mul3A_83, %add3A_84 : i32
    %dma_wait3A_86 = arith.constant 0 : i32
    %dma_wait3A_87 = tpu.memref_slice %arg23[%add3A_85, %dma_wait3A_86] : memref<10240x64xf32, #tpu.memory_space<vmem_shared>> -> memref<128x64xf32, #tpu.memory_space<vmem_shared>>
    %dma_wait3A_88 = arith.constant 0 : i32
    %dma_wait3A_89 = tpu.memref_slice %arg23[%add3A_85, %dma_wait3A_88] : memref<10240x64xf32, #tpu.memory_space<vmem_shared>> -> memref<128x64xf32, #tpu.memory_space<vmem_shared>>
    tpu.wait_dma2 semaphore(%arg21 : memref<!tpu.dma_semaphore, #tpu.memory_space<semaphore_mem>>) src(%arg8 : memref<128x64xf32, #tpu.memory_space<vmem>>) dst(%dma_wait3A_89 : memref<128x64xf32, #tpu.memory_space<vmem_shared>>)
    %mul3A_90 = arith.constant 640 : i32
    %mul3A_91 = arith.muli %arg1, %mul3A_90 : i32
    %add3A_92 = arith.constant 512 : i32
    %add3A_93 = arith.addi %mul3A_91, %add3A_92 : i32
    %dma_wait3A_94 = arith.constant 0 : i32
    %dma_wait3A_95 = tpu.memref_slice %arg23[%add3A_93, %dma_wait3A_94] : memref<10240x64xf32, #tpu.memory_space<vmem_shared>> -> memref<128x64xf32, #tpu.memory_space<vmem_shared>>
    %dma_wait3A_96 = arith.constant 0 : i32
    %dma_wait3A_97 = tpu.memref_slice %arg23[%add3A_93, %dma_wait3A_96] : memref<10240x64xf32, #tpu.memory_space<vmem_shared>> -> memref<128x64xf32, #tpu.memory_space<vmem_shared>>
    tpu.wait_dma2 semaphore(%arg22 : memref<!tpu.dma_semaphore, #tpu.memory_space<semaphore_mem>>) src(%arg8 : memref<128x64xf32, #tpu.memory_space<vmem>>) dst(%dma_wait3A_97 : memref<128x64xf32, #tpu.memory_space<vmem_shared>>)
    %dma_wait3A_98 = arith.constant 0 : i32
    %dma_wait3A_99 = arith.constant 0 : i32
    %dma_wait3A_100 = tpu.memref_slice %arg3[%arg0, %arg1, %dma_wait3A_98, %dma_wait3A_99] : memref<2x16x160x128xi32, #tpu.memory_space<hbm>> -> memref<1x1x160x128xi32, #tpu.memory_space<hbm>>
    %dma_wait3A_101 = tpu.memref_squeeze %dma_wait3A_100 : memref<1x1x160x128xi32, #tpu.memory_space<hbm>> -> memref<160x128xi32, #tpu.memory_space<hbm>>
    %dma_wait3A_102 = arith.constant 0 : i32
    %dma_wait3A_103 = arith.constant 0 : i32
    %dma_wait3A_104 = tpu.memref_slice %arg3[%arg0, %arg1, %dma_wait3A_102, %dma_wait3A_103] : memref<2x16x160x128xi32, #tpu.memory_space<hbm>> -> memref<1x1x160x128xi32, #tpu.memory_space<hbm>>
    %dma_wait3A_105 = tpu.memref_squeeze %dma_wait3A_104 : memref<1x1x160x128xi32, #tpu.memory_space<hbm>> -> memref<160x128xi32, #tpu.memory_space<hbm>>
    tpu.wait_dma2 semaphore(%arg13 : memref<!tpu.dma_semaphore, #tpu.memory_space<semaphore_mem>>) src(%dma_wait3A_105 : memref<160x128xi32, #tpu.memory_space<hbm>>) dst(%arg6 : memref<160x128xi32, #tpu.memory_space<vmem>>)
    %dma_wait3A_106 = arith.constant 0 : i32
    %dma_wait3A_107 = arith.constant 0 : i32
    %dma_wait3A_108 = tpu.memref_slice %arg4[%arg1, %dma_wait3A_106, %dma_wait3A_107] : memref<16x160x128xi32, #tpu.memory_space<hbm>> -> memref<1x160x128xi32, #tpu.memory_space<hbm>>
    %dma_wait3A_109 = tpu.memref_squeeze %dma_wait3A_108 : memref<1x160x128xi32, #tpu.memory_space<hbm>> -> memref<160x128xi32, #tpu.memory_space<hbm>>
    %dma_wait3A_110 = arith.constant 0 : i32
    %dma_wait3A_111 = arith.constant 0 : i32
    %dma_wait3A_112 = tpu.memref_slice %arg4[%arg1, %dma_wait3A_110, %dma_wait3A_111] : memref<16x160x128xi32, #tpu.memory_space<hbm>> -> memref<1x160x128xi32, #tpu.memory_space<hbm>>
    %dma_wait3A_113 = tpu.memref_squeeze %dma_wait3A_112 : memref<1x160x128xi32, #tpu.memory_space<hbm>> -> memref<160x128xi32, #tpu.memory_space<hbm>>
    tpu.wait_dma2 semaphore(%arg14 : memref<!tpu.dma_semaphore, #tpu.memory_space<semaphore_mem>>) src(%dma_wait3A_113 : memref<160x128xi32, #tpu.memory_space<hbm>>) dst(%arg7 : memref<160x128xi32, #tpu.memory_space<vmem>>)
    %barrier3A = arith.constant 0 : index
    tpu.barrier barrier_id(%barrier3A)
    %dma_start3A_114 = arith.constant 0 : i32
    %dma_start3A_115 = arith.constant 0 : i32
    %dma_start3A_116 = tpu.memref_slice %arg6[%dma_start3A_114, %dma_start3A_115] : memref<160x128xi32, #tpu.memory_space<vmem>> -> memref<1x128xi32, #tpu.memory_space<vmem>>
    %dma_start3A_117 = tpu.memref_squeeze %dma_start3A_116 : memref<1x128xi32, #tpu.memory_space<vmem>> -> memref<128xi32, #tpu.memory_space<vmem>>
    %dma_start3A_118 = arith.constant 0 : i32
    %dma_start3A_119 = arith.constant 0 : i32
    %dma_start3A_120 = tpu.memref_slice %arg2[%dma_start3A_118, %dma_start3A_119] : memref<20000x64xf32, #tpu.memory_space<hbm>> -> memref<20000x64xf32, #tpu.memory_space<hbm>>
    tpu.enqueue_indirect_dma source(%dma_start3A_120 : memref<20000x64xf32, #tpu.memory_space<hbm>>) target(%arg8 : memref<128x64xf32, #tpu.memory_space<vmem>>) offsets(%dma_start3A_117 : memref<128xi32, #tpu.memory_space<vmem>>) semaphore(%arg13 : memref<!tpu.dma_semaphore, #tpu.memory_space<semaphore_mem>>)
    %dma_start3A_121 = arith.constant 1 : i32
    %dma_start3A_122 = arith.constant 0 : i32
    %dma_start3A_123 = tpu.memref_slice %arg6[%dma_start3A_121, %dma_start3A_122] : memref<160x128xi32, #tpu.memory_space<vmem>> -> memref<1x128xi32, #tpu.memory_space<vmem>>
    %dma_start3A_124 = tpu.memref_squeeze %dma_start3A_123 : memref<1x128xi32, #tpu.memory_space<vmem>> -> memref<128xi32, #tpu.memory_space<vmem>>
    %dma_start3A_125 = arith.constant 0 : i32
    %dma_start3A_126 = arith.constant 0 : i32
    %dma_start3A_127 = tpu.memref_slice %arg2[%dma_start3A_125, %dma_start3A_126] : memref<20000x64xf32, #tpu.memory_space<hbm>> -> memref<20000x64xf32, #tpu.memory_space<hbm>>
    tpu.enqueue_indirect_dma source(%dma_start3A_127 : memref<20000x64xf32, #tpu.memory_space<hbm>>) target(%arg9 : memref<128x64xf32, #tpu.memory_space<vmem>>) offsets(%dma_start3A_124 : memref<128xi32, #tpu.memory_space<vmem>>) semaphore(%arg14 : memref<!tpu.dma_semaphore, #tpu.memory_space<semaphore_mem>>)
    %dma_start3A_128 = arith.constant 2 : i32
    %dma_start3A_129 = arith.constant 0 : i32
    %dma_start3A_130 = tpu.memref_slice %arg6[%dma_start3A_128, %dma_start3A_129] : memref<160x128xi32, #tpu.memory_space<vmem>> -> memref<1x128xi32, #tpu.memory_space<vmem>>
    %dma_start3A_131 = tpu.memref_squeeze %dma_start3A_130 : memref<1x128xi32, #tpu.memory_space<vmem>> -> memref<128xi32, #tpu.memory_space<vmem>>
    %dma_start3A_132 = arith.constant 0 : i32
    %dma_start3A_133 = arith.constant 0 : i32
    %dma_start3A_134 = tpu.memref_slice %arg2[%dma_start3A_132, %dma_start3A_133] : memref<20000x64xf32, #tpu.memory_space<hbm>> -> memref<20000x64xf32, #tpu.memory_space<hbm>>
    tpu.enqueue_indirect_dma source(%dma_start3A_134 : memref<20000x64xf32, #tpu.memory_space<hbm>>) target(%arg10 : memref<128x64xf32, #tpu.memory_space<vmem>>) offsets(%dma_start3A_131 : memref<128xi32, #tpu.memory_space<vmem>>) semaphore(%arg15 : memref<!tpu.dma_semaphore, #tpu.memory_space<semaphore_mem>>)
    %dma_start3A_135 = arith.constant 3 : i32
    %dma_start3A_136 = arith.constant 0 : i32
    %dma_start3A_137 = tpu.memref_slice %arg6[%dma_start3A_135, %dma_start3A_136] : memref<160x128xi32, #tpu.memory_space<vmem>> -> memref<1x128xi32, #tpu.memory_space<vmem>>
    %dma_start3A_138 = tpu.memref_squeeze %dma_start3A_137 : memref<1x128xi32, #tpu.memory_space<vmem>> -> memref<128xi32, #tpu.memory_space<vmem>>
    %dma_start3A_139 = arith.constant 0 : i32
    %dma_start3A_140 = arith.constant 0 : i32
    %dma_start3A_141 = tpu.memref_slice %arg2[%dma_start3A_139, %dma_start3A_140] : memref<20000x64xf32, #tpu.memory_space<hbm>> -> memref<20000x64xf32, #tpu.memory_space<hbm>>
    tpu.enqueue_indirect_dma source(%dma_start3A_141 : memref<20000x64xf32, #tpu.memory_space<hbm>>) target(%arg11 : memref<128x64xf32, #tpu.memory_space<vmem>>) offsets(%dma_start3A_138 : memref<128xi32, #tpu.memory_space<vmem>>) semaphore(%arg16 : memref<!tpu.dma_semaphore, #tpu.memory_space<semaphore_mem>>)
    %scan3A_142 = arith.constant 0 : i32
    %scan3A_143 = arith.constant 0 : i32
    %scan3A_144 = arith.constant 32 : i32
    %scan3A_145 = arith.addi %scan3A_143, %scan3A_144 : i32
    %scan3A_146 = arith.constant 1 : i32
    %scan3A_147 = scf.for %scan3A_285 = %scan3A_143 to %scan3A_145 step %scan3A_146 iter_args(%scan3A_286 = %scan3A_142) -> (i32)  : i32 {
      %mul3A_287 = arith.constant 5 : i32
      %mul3A_288 = arith.muli %mul3A_287, %scan3A_285 : i32
      %add3A_289 = arith.constant 0 : i32
      %add3A_290 = arith.addi %mul3A_288, %add3A_289 : i32
      %add3A_291 = arith.constant 4 : i32
      %add3A_292 = arith.addi %add3A_290, %add3A_291 : i32
      %lt3A = arith.constant 160 : i32
      %lt3A_293 = arith.cmpi slt, %add3A_292, %lt3A : i32
      %convert_element_type3A = arith.extui %lt3A_293 : i1 to i32
      %cond3A = arith.constant 0 : i32
      %cond3A_294 = arith.cmpi ne, %convert_element_type3A, %cond3A : i32
      scf.if %cond3A_294 {
        %add3A_400 = arith.constant 4 : i32
        %add3A_401 = arith.addi %add3A_290, %add3A_400 : i32
        %ge3A = arith.constant 5 : i32
        %ge3A_402 = arith.cmpi sge, %add3A_401, %ge3A : i32
        %convert_element_type3A_403 = arith.extui %ge3A_402 : i1 to i32
        %cond3A_404 = arith.constant 0 : i32
        %cond3A_405 = arith.cmpi ne, %convert_element_type3A_403, %cond3A_404 : i32
        scf.if %cond3A_405 {
          %add3A_414 = arith.constant 4 : i32
          %add3A_415 = arith.addi %add3A_290, %add3A_414 : i32
          %sub3A = arith.constant 5 : i32
          %sub3A_416 = arith.subi %add3A_415, %sub3A : i32
          %dma_wait3A_417 = arith.constant 0 : i32
          %dma_wait3A_418 = tpu.memref_slice %arg7[%sub3A_416, %dma_wait3A_417] : memref<160x128xi32, #tpu.memory_space<vmem>> -> memref<1x128xi32, #tpu.memory_space<vmem>>
          %dma_wait3A_419 = tpu.memref_squeeze %dma_wait3A_418 : memref<1x128xi32, #tpu.memory_space<vmem>> -> memref<128xi32, #tpu.memory_space<vmem>>
          %dma_wait3A_420 = arith.constant 0 : i32
          %dma_wait3A_421 = arith.constant 0 : i32
          %dma_wait3A_422 = tpu.memref_slice %arg23[%dma_wait3A_420, %dma_wait3A_421] : memref<10240x64xf32, #tpu.memory_space<vmem_shared>> -> memref<10240x64xf32, #tpu.memory_space<vmem_shared>>
          tpu.wait_indirect_dma semaphore(%arg22 : memref<!tpu.dma_semaphore, #tpu.memory_space<semaphore_mem>>) src(%arg12 : memref<128x64xf32, #tpu.memory_space<vmem>>) dst(%dma_wait3A_422 : memref<10240x64xf32, #tpu.memory_space<vmem_shared>>)
        } else {
        }
        %add3A_406 = arith.constant 4 : i32
        %add3A_407 = arith.addi %add3A_290, %add3A_406 : i32
        %dma_start3A_408 = arith.constant 0 : i32
        %dma_start3A_409 = tpu.memref_slice %arg6[%add3A_407, %dma_start3A_408] : memref<160x128xi32, #tpu.memory_space<vmem>> -> memref<1x128xi32, #tpu.memory_space<vmem>>
        %dma_start3A_410 = tpu.memref_squeeze %dma_start3A_409 : memref<1x128xi32, #tpu.memory_space<vmem>> -> memref<128xi32, #tpu.memory_space<vmem>>
        %dma_start3A_411 = arith.constant 0 : i32
        %dma_start3A_412 = arith.constant 0 : i32
        %dma_start3A_413 = tpu.memref_slice %arg2[%dma_start3A_411, %dma_start3A_412] : memref<20000x64xf32, #tpu.memory_space<hbm>> -> memref<20000x64xf32, #tpu.memory_space<hbm>>
        tpu.enqueue_indirect_dma source(%dma_start3A_413 : memref<20000x64xf32, #tpu.memory_space<hbm>>) target(%arg12 : memref<128x64xf32, #tpu.memory_space<vmem>>) offsets(%dma_start3A_410 : memref<128xi32, #tpu.memory_space<vmem>>) semaphore(%arg17 : memref<!tpu.dma_semaphore, #tpu.memory_space<semaphore_mem>>)
      } else {
      }
      %dma_wait3A_295 = arith.constant 0 : i32
      %dma_wait3A_296 = tpu.memref_slice %arg6[%add3A_290, %dma_wait3A_295] : memref<160x128xi32, #tpu.memory_space<vmem>> -> memref<1x128xi32, #tpu.memory_space<vmem>>
      %dma_wait3A_297 = tpu.memref_squeeze %dma_wait3A_296 : memref<1x128xi32, #tpu.memory_space<vmem>> -> memref<128xi32, #tpu.memory_space<vmem>>
      %dma_wait3A_298 = arith.constant 0 : i32
      %dma_wait3A_299 = arith.constant 0 : i32
      %dma_wait3A_300 = tpu.memref_slice %arg2[%dma_wait3A_298, %dma_wait3A_299] : memref<20000x64xf32, #tpu.memory_space<hbm>> -> memref<20000x64xf32, #tpu.memory_space<hbm>>
      tpu.wait_indirect_dma semaphore(%arg13 : memref<!tpu.dma_semaphore, #tpu.memory_space<semaphore_mem>>) src(%dma_wait3A_300 : memref<20000x64xf32, #tpu.memory_space<hbm>>) dst(%arg8 : memref<128x64xf32, #tpu.memory_space<vmem>>)
      %dma_start3A_301 = arith.constant 0 : i32
      %dma_start3A_302 = tpu.memref_slice %arg7[%add3A_290, %dma_start3A_301] : memref<160x128xi32, #tpu.memory_space<vmem>> -> memref<1x128xi32, #tpu.memory_space<vmem>>
      %dma_start3A_303 = tpu.memref_squeeze %dma_start3A_302 : memref<1x128xi32, #tpu.memory_space<vmem>> -> memref<128xi32, #tpu.memory_space<vmem>>
      %dma_start3A_304 = arith.constant 0 : i32
      %dma_start3A_305 = arith.constant 0 : i32
      %dma_start3A_306 = tpu.memref_slice %arg23[%dma_start3A_304, %dma_start3A_305] : memref<10240x64xf32, #tpu.memory_space<vmem_shared>> -> memref<10240x64xf32, #tpu.memory_space<vmem_shared>>
      tpu.enqueue_indirect_dma source(%arg8 : memref<128x64xf32, #tpu.memory_space<vmem>>) target(%dma_start3A_306 : memref<10240x64xf32, #tpu.memory_space<vmem_shared>>) offsets(%dma_start3A_303 : memref<128xi32, #tpu.memory_space<vmem>>) semaphore(%arg18 : memref<!tpu.dma_semaphore, #tpu.memory_space<semaphore_mem>>) {add = true}
      %mul3A_307 = arith.constant 5 : i32
      %mul3A_308 = arith.muli %mul3A_307, %scan3A_285 : i32
      %add3A_309 = arith.constant 1 : i32
      %add3A_310 = arith.addi %mul3A_308, %add3A_309 : i32
      %add3A_311 = arith.constant 4 : i32
      %add3A_312 = arith.addi %add3A_310, %add3A_311 : i32
      %lt3A_313 = arith.constant 160 : i32
      %lt3A_314 = arith.cmpi slt, %add3A_312, %lt3A_313 : i32
      %convert_element_type3A_315 = arith.extui %lt3A_314 : i1 to i32
      %cond3A_316 = arith.constant 0 : i32
      %cond3A_317 = arith.cmpi ne, %convert_element_type3A_315, %cond3A_316 : i32
      scf.if %cond3A_317 {
        %add3A_400 = arith.constant 4 : i32
        %add3A_401 = arith.addi %add3A_310, %add3A_400 : i32
        %ge3A = arith.constant 5 : i32
        %ge3A_402 = arith.cmpi sge, %add3A_401, %ge3A : i32
        %convert_element_type3A_403 = arith.extui %ge3A_402 : i1 to i32
        %cond3A_404 = arith.constant 0 : i32
        %cond3A_405 = arith.cmpi ne, %convert_element_type3A_403, %cond3A_404 : i32
        scf.if %cond3A_405 {
          %add3A_414 = arith.constant 4 : i32
          %add3A_415 = arith.addi %add3A_310, %add3A_414 : i32
          %sub3A = arith.constant 5 : i32
          %sub3A_416 = arith.subi %add3A_415, %sub3A : i32
          %dma_wait3A_417 = arith.constant 0 : i32
          %dma_wait3A_418 = tpu.memref_slice %arg7[%sub3A_416, %dma_wait3A_417] : memref<160x128xi32, #tpu.memory_space<vmem>> -> memref<1x128xi32, #tpu.memory_space<vmem>>
          %dma_wait3A_419 = tpu.memref_squeeze %dma_wait3A_418 : memref<1x128xi32, #tpu.memory_space<vmem>> -> memref<128xi32, #tpu.memory_space<vmem>>
          %dma_wait3A_420 = arith.constant 0 : i32
          %dma_wait3A_421 = arith.constant 0 : i32
          %dma_wait3A_422 = tpu.memref_slice %arg23[%dma_wait3A_420, %dma_wait3A_421] : memref<10240x64xf32, #tpu.memory_space<vmem_shared>> -> memref<10240x64xf32, #tpu.memory_space<vmem_shared>>
          tpu.wait_indirect_dma semaphore(%arg18 : memref<!tpu.dma_semaphore, #tpu.memory_space<semaphore_mem>>) src(%arg8 : memref<128x64xf32, #tpu.memory_space<vmem>>) dst(%dma_wait3A_422 : memref<10240x64xf32, #tpu.memory_space<vmem_shared>>)
        } else {
        }
        %add3A_406 = arith.constant 4 : i32
        %add3A_407 = arith.addi %add3A_310, %add3A_406 : i32
        %dma_start3A_408 = arith.constant 0 : i32
        %dma_start3A_409 = tpu.memref_slice %arg6[%add3A_407, %dma_start3A_408] : memref<160x128xi32, #tpu.memory_space<vmem>> -> memref<1x128xi32, #tpu.memory_space<vmem>>
        %dma_start3A_410 = tpu.memref_squeeze %dma_start3A_409 : memref<1x128xi32, #tpu.memory_space<vmem>> -> memref<128xi32, #tpu.memory_space<vmem>>
        %dma_start3A_411 = arith.constant 0 : i32
        %dma_start3A_412 = arith.constant 0 : i32
        %dma_start3A_413 = tpu.memref_slice %arg2[%dma_start3A_411, %dma_start3A_412] : memref<20000x64xf32, #tpu.memory_space<hbm>> -> memref<20000x64xf32, #tpu.memory_space<hbm>>
        tpu.enqueue_indirect_dma source(%dma_start3A_413 : memref<20000x64xf32, #tpu.memory_space<hbm>>) target(%arg8 : memref<128x64xf32, #tpu.memory_space<vmem>>) offsets(%dma_start3A_410 : memref<128xi32, #tpu.memory_space<vmem>>) semaphore(%arg13 : memref<!tpu.dma_semaphore, #tpu.memory_space<semaphore_mem>>)
      } else {
      }
      %dma_wait3A_318 = arith.constant 0 : i32
      %dma_wait3A_319 = tpu.memref_slice %arg6[%add3A_310, %dma_wait3A_318] : memref<160x128xi32, #tpu.memory_space<vmem>> -> memref<1x128xi32, #tpu.memory_space<vmem>>
      %dma_wait3A_320 = tpu.memref_squeeze %dma_wait3A_319 : memref<1x128xi32, #tpu.memory_space<vmem>> -> memref<128xi32, #tpu.memory_space<vmem>>
      %dma_wait3A_321 = arith.constant 0 : i32
      %dma_wait3A_322 = arith.constant 0 : i32
      %dma_wait3A_323 = tpu.memref_slice %arg2[%dma_wait3A_321, %dma_wait3A_322] : memref<20000x64xf32, #tpu.memory_space<hbm>> -> memref<20000x64xf32, #tpu.memory_space<hbm>>
      tpu.wait_indirect_dma semaphore(%arg14 : memref<!tpu.dma_semaphore, #tpu.memory_space<semaphore_mem>>) src(%dma_wait3A_323 : memref<20000x64xf32, #tpu.memory_space<hbm>>) dst(%arg9 : memref<128x64xf32, #tpu.memory_space<vmem>>)
      %dma_start3A_324 = arith.constant 0 : i32
      %dma_start3A_325 = tpu.memref_slice %arg7[%add3A_310, %dma_start3A_324] : memref<160x128xi32, #tpu.memory_space<vmem>> -> memref<1x128xi32, #tpu.memory_space<vmem>>
      %dma_start3A_326 = tpu.memref_squeeze %dma_start3A_325 : memref<1x128xi32, #tpu.memory_space<vmem>> -> memref<128xi32, #tpu.memory_space<vmem>>
      %dma_start3A_327 = arith.constant 0 : i32
      %dma_start3A_328 = arith.constant 0 : i32
      %dma_start3A_329 = tpu.memref_slice %arg23[%dma_start3A_327, %dma_start3A_328] : memref<10240x64xf32, #tpu.memory_space<vmem_shared>> -> memref<10240x64xf32, #tpu.memory_space<vmem_shared>>
      tpu.enqueue_indirect_dma source(%arg9 : memref<128x64xf32, #tpu.memory_space<vmem>>) target(%dma_start3A_329 : memref<10240x64xf32, #tpu.memory_space<vmem_shared>>) offsets(%dma_start3A_326 : memref<128xi32, #tpu.memory_space<vmem>>) semaphore(%arg19 : memref<!tpu.dma_semaphore, #tpu.memory_space<semaphore_mem>>) {add = true}
      %mul3A_330 = arith.constant 5 : i32
      %mul3A_331 = arith.muli %mul3A_330, %scan3A_285 : i32
      %add3A_332 = arith.constant 2 : i32
      %add3A_333 = arith.addi %mul3A_331, %add3A_332 : i32
      %add3A_334 = arith.constant 4 : i32
      %add3A_335 = arith.addi %add3A_333, %add3A_334 : i32
      %lt3A_336 = arith.constant 160 : i32
      %lt3A_337 = arith.cmpi slt, %add3A_335, %lt3A_336 : i32
      %convert_element_type3A_338 = arith.extui %lt3A_337 : i1 to i32
      %cond3A_339 = arith.constant 0 : i32
      %cond3A_340 = arith.cmpi ne, %convert_element_type3A_338, %cond3A_339 : i32
      scf.if %cond3A_340 {
        %add3A_400 = arith.constant 4 : i32
        %add3A_401 = arith.addi %add3A_333, %add3A_400 : i32
        %ge3A = arith.constant 5 : i32
        %ge3A_402 = arith.cmpi sge, %add3A_401, %ge3A : i32
        %convert_element_type3A_403 = arith.extui %ge3A_402 : i1 to i32
        %cond3A_404 = arith.constant 0 : i32
        %cond3A_405 = arith.cmpi ne, %convert_element_type3A_403, %cond3A_404 : i32
        scf.if %cond3A_405 {
          %add3A_414 = arith.constant 4 : i32
          %add3A_415 = arith.addi %add3A_333, %add3A_414 : i32
          %sub3A = arith.constant 5 : i32
          %sub3A_416 = arith.subi %add3A_415, %sub3A : i32
          %dma_wait3A_417 = arith.constant 0 : i32
          %dma_wait3A_418 = tpu.memref_slice %arg7[%sub3A_416, %dma_wait3A_417] : memref<160x128xi32, #tpu.memory_space<vmem>> -> memref<1x128xi32, #tpu.memory_space<vmem>>
          %dma_wait3A_419 = tpu.memref_squeeze %dma_wait3A_418 : memref<1x128xi32, #tpu.memory_space<vmem>> -> memref<128xi32, #tpu.memory_space<vmem>>
          %dma_wait3A_420 = arith.constant 0 : i32
          %dma_wait3A_421 = arith.constant 0 : i32
          %dma_wait3A_422 = tpu.memref_slice %arg23[%dma_wait3A_420, %dma_wait3A_421] : memref<10240x64xf32, #tpu.memory_space<vmem_shared>> -> memref<10240x64xf32, #tpu.memory_space<vmem_shared>>
          tpu.wait_indirect_dma semaphore(%arg19 : memref<!tpu.dma_semaphore, #tpu.memory_space<semaphore_mem>>) src(%arg9 : memref<128x64xf32, #tpu.memory_space<vmem>>) dst(%dma_wait3A_422 : memref<10240x64xf32, #tpu.memory_space<vmem_shared>>)
        } else {
        }
        %add3A_406 = arith.constant 4 : i32
        %add3A_407 = arith.addi %add3A_333, %add3A_406 : i32
        %dma_start3A_408 = arith.constant 0 : i32
        %dma_start3A_409 = tpu.memref_slice %arg6[%add3A_407, %dma_start3A_408] : memref<160x128xi32, #tpu.memory_space<vmem>> -> memref<1x128xi32, #tpu.memory_space<vmem>>
        %dma_start3A_410 = tpu.memref_squeeze %dma_start3A_409 : memref<1x128xi32, #tpu.memory_space<vmem>> -> memref<128xi32, #tpu.memory_space<vmem>>
        %dma_start3A_411 = arith.constant 0 : i32
        %dma_start3A_412 = arith.constant 0 : i32
        %dma_start3A_413 = tpu.memref_slice %arg2[%dma_start3A_411, %dma_start3A_412] : memref<20000x64xf32, #tpu.memory_space<hbm>> -> memref<20000x64xf32, #tpu.memory_space<hbm>>
        tpu.enqueue_indirect_dma source(%dma_start3A_413 : memref<20000x64xf32, #tpu.memory_space<hbm>>) target(%arg9 : memref<128x64xf32, #tpu.memory_space<vmem>>) offsets(%dma_start3A_410 : memref<128xi32, #tpu.memory_space<vmem>>) semaphore(%arg14 : memref<!tpu.dma_semaphore, #tpu.memory_space<semaphore_mem>>)
      } else {
      }
      %dma_wait3A_341 = arith.constant 0 : i32
      %dma_wait3A_342 = tpu.memref_slice %arg6[%add3A_333, %dma_wait3A_341] : memref<160x128xi32, #tpu.memory_space<vmem>> -> memref<1x128xi32, #tpu.memory_space<vmem>>
      %dma_wait3A_343 = tpu.memref_squeeze %dma_wait3A_342 : memref<1x128xi32, #tpu.memory_space<vmem>> -> memref<128xi32, #tpu.memory_space<vmem>>
      %dma_wait3A_344 = arith.constant 0 : i32
      %dma_wait3A_345 = arith.constant 0 : i32
      %dma_wait3A_346 = tpu.memref_slice %arg2[%dma_wait3A_344, %dma_wait3A_345] : memref<20000x64xf32, #tpu.memory_space<hbm>> -> memref<20000x64xf32, #tpu.memory_space<hbm>>
      tpu.wait_indirect_dma semaphore(%arg15 : memref<!tpu.dma_semaphore, #tpu.memory_space<semaphore_mem>>) src(%dma_wait3A_346 : memref<20000x64xf32, #tpu.memory_space<hbm>>) dst(%arg10 : memref<128x64xf32, #tpu.memory_space<vmem>>)
      %dma_start3A_347 = arith.constant 0 : i32
      %dma_start3A_348 = tpu.memref_slice %arg7[%add3A_333, %dma_start3A_347] : memref<160x128xi32, #tpu.memory_space<vmem>> -> memref<1x128xi32, #tpu.memory_space<vmem>>
      %dma_start3A_349 = tpu.memref_squeeze %dma_start3A_348 : memref<1x128xi32, #tpu.memory_space<vmem>> -> memref<128xi32, #tpu.memory_space<vmem>>
      %dma_start3A_350 = arith.constant 0 : i32
      %dma_start3A_351 = arith.constant 0 : i32
      %dma_start3A_352 = tpu.memref_slice %arg23[%dma_start3A_350, %dma_start3A_351] : memref<10240x64xf32, #tpu.memory_space<vmem_shared>> -> memref<10240x64xf32, #tpu.memory_space<vmem_shared>>
      tpu.enqueue_indirect_dma source(%arg10 : memref<128x64xf32, #tpu.memory_space<vmem>>) target(%dma_start3A_352 : memref<10240x64xf32, #tpu.memory_space<vmem_shared>>) offsets(%dma_start3A_349 : memref<128xi32, #tpu.memory_space<vmem>>) semaphore(%arg20 : memref<!tpu.dma_semaphore, #tpu.memory_space<semaphore_mem>>) {add = true}
      %mul3A_353 = arith.constant 5 : i32
      %mul3A_354 = arith.muli %mul3A_353, %scan3A_285 : i32
      %add3A_355 = arith.constant 3 : i32
      %add3A_356 = arith.addi %mul3A_354, %add3A_355 : i32
      %add3A_357 = arith.constant 4 : i32
      %add3A_358 = arith.addi %add3A_356, %add3A_357 : i32
      %lt3A_359 = arith.constant 160 : i32
      %lt3A_360 = arith.cmpi slt, %add3A_358, %lt3A_359 : i32
      %convert_element_type3A_361 = arith.extui %lt3A_360 : i1 to i32
      %cond3A_362 = arith.constant 0 : i32
      %cond3A_363 = arith.cmpi ne, %convert_element_type3A_361, %cond3A_362 : i32
      scf.if %cond3A_363 {
        %add3A_400 = arith.constant 4 : i32
        %add3A_401 = arith.addi %add3A_356, %add3A_400 : i32
        %ge3A = arith.constant 5 : i32
        %ge3A_402 = arith.cmpi sge, %add3A_401, %ge3A : i32
        %convert_element_type3A_403 = arith.extui %ge3A_402 : i1 to i32
        %cond3A_404 = arith.constant 0 : i32
        %cond3A_405 = arith.cmpi ne, %convert_element_type3A_403, %cond3A_404 : i32
        scf.if %cond3A_405 {
          %add3A_414 = arith.constant 4 : i32
          %add3A_415 = arith.addi %add3A_356, %add3A_414 : i32
          %sub3A = arith.constant 5 : i32
          %sub3A_416 = arith.subi %add3A_415, %sub3A : i32
          %dma_wait3A_417 = arith.constant 0 : i32
          %dma_wait3A_418 = tpu.memref_slice %arg7[%sub3A_416, %dma_wait3A_417] : memref<160x128xi32, #tpu.memory_space<vmem>> -> memref<1x128xi32, #tpu.memory_space<vmem>>
          %dma_wait3A_419 = tpu.memref_squeeze %dma_wait3A_418 : memref<1x128xi32, #tpu.memory_space<vmem>> -> memref<128xi32, #tpu.memory_space<vmem>>
          %dma_wait3A_420 = arith.constant 0 : i32
          %dma_wait3A_421 = arith.constant 0 : i32
          %dma_wait3A_422 = tpu.memref_slice %arg23[%dma_wait3A_420, %dma_wait3A_421] : memref<10240x64xf32, #tpu.memory_space<vmem_shared>> -> memref<10240x64xf32, #tpu.memory_space<vmem_shared>>
          tpu.wait_indirect_dma semaphore(%arg20 : memref<!tpu.dma_semaphore, #tpu.memory_space<semaphore_mem>>) src(%arg10 : memref<128x64xf32, #tpu.memory_space<vmem>>) dst(%dma_wait3A_422 : memref<10240x64xf32, #tpu.memory_space<vmem_shared>>)
        } else {
        }
        %add3A_406 = arith.constant 4 : i32
        %add3A_407 = arith.addi %add3A_356, %add3A_406 : i32
        %dma_start3A_408 = arith.constant 0 : i32
        %dma_start3A_409 = tpu.memref_slice %arg6[%add3A_407, %dma_start3A_408] : memref<160x128xi32, #tpu.memory_space<vmem>> -> memref<1x128xi32, #tpu.memory_space<vmem>>
        %dma_start3A_410 = tpu.memref_squeeze %dma_start3A_409 : memref<1x128xi32, #tpu.memory_space<vmem>> -> memref<128xi32, #tpu.memory_space<vmem>>
        %dma_start3A_411 = arith.constant 0 : i32
        %dma_start3A_412 = arith.constant 0 : i32
        %dma_start3A_413 = tpu.memref_slice %arg2[%dma_start3A_411, %dma_start3A_412] : memref<20000x64xf32, #tpu.memory_space<hbm>> -> memref<20000x64xf32, #tpu.memory_space<hbm>>
        tpu.enqueue_indirect_dma source(%dma_start3A_413 : memref<20000x64xf32, #tpu.memory_space<hbm>>) target(%arg10 : memref<128x64xf32, #tpu.memory_space<vmem>>) offsets(%dma_start3A_410 : memref<128xi32, #tpu.memory_space<vmem>>) semaphore(%arg15 : memref<!tpu.dma_semaphore, #tpu.memory_space<semaphore_mem>>)
      } else {
      }
      %dma_wait3A_364 = arith.constant 0 : i32
      %dma_wait3A_365 = tpu.memref_slice %arg6[%add3A_356, %dma_wait3A_364] : memref<160x128xi32, #tpu.memory_space<vmem>> -> memref<1x128xi32, #tpu.memory_space<vmem>>
      %dma_wait3A_366 = tpu.memref_squeeze %dma_wait3A_365 : memref<1x128xi32, #tpu.memory_space<vmem>> -> memref<128xi32, #tpu.memory_space<vmem>>
      %dma_wait3A_367 = arith.constant 0 : i32
      %dma_wait3A_368 = arith.constant 0 : i32
      %dma_wait3A_369 = tpu.memref_slice %arg2[%dma_wait3A_367, %dma_wait3A_368] : memref<20000x64xf32, #tpu.memory_space<hbm>> -> memref<20000x64xf32, #tpu.memory_space<hbm>>
      tpu.wait_indirect_dma semaphore(%arg16 : memref<!tpu.dma_semaphore, #tpu.memory_space<semaphore_mem>>) src(%dma_wait3A_369 : memref<20000x64xf32, #tpu.memory_space<hbm>>) dst(%arg11 : memref<128x64xf32, #tpu.memory_space<vmem>>)
      %dma_start3A_370 = arith.constant 0 : i32
      %dma_start3A_371 = tpu.memref_slice %arg7[%add3A_356, %dma_start3A_370] : memref<160x128xi32, #tpu.memory_space<vmem>> -> memref<1x128xi32, #tpu.memory_space<vmem>>
      %dma_start3A_372 = tpu.memref_squeeze %dma_start3A_371 : memref<1x128xi32, #tpu.memory_space<vmem>> -> memref<128xi32, #tpu.memory_space<vmem>>
      %dma_start3A_373 = arith.constant 0 : i32
      %dma_start3A_374 = arith.constant 0 : i32
      %dma_start3A_375 = tpu.memref_slice %arg23[%dma_start3A_373, %dma_start3A_374] : memref<10240x64xf32, #tpu.memory_space<vmem_shared>> -> memref<10240x64xf32, #tpu.memory_space<vmem_shared>>
      tpu.enqueue_indirect_dma source(%arg11 : memref<128x64xf32, #tpu.memory_space<vmem>>) target(%dma_start3A_375 : memref<10240x64xf32, #tpu.memory_space<vmem_shared>>) offsets(%dma_start3A_372 : memref<128xi32, #tpu.memory_space<vmem>>) semaphore(%arg21 : memref<!tpu.dma_semaphore, #tpu.memory_space<semaphore_mem>>) {add = true}
      %mul3A_376 = arith.constant 5 : i32
      %mul3A_377 = arith.muli %mul3A_376, %scan3A_285 : i32
      %add3A_378 = arith.constant 4 : i32
      %add3A_379 = arith.addi %mul3A_377, %add3A_378 : i32
      %add3A_380 = arith.constant 4 : i32
      %add3A_381 = arith.addi %add3A_379, %add3A_380 : i32
      %lt3A_382 = arith.constant 160 : i32
      %lt3A_383 = arith.cmpi slt, %add3A_381, %lt3A_382 : i32
      %convert_element_type3A_384 = arith.extui %lt3A_383 : i1 to i32
      %cond3A_385 = arith.constant 0 : i32
      %cond3A_386 = arith.cmpi ne, %convert_element_type3A_384, %cond3A_385 : i32
      scf.if %cond3A_386 {
        %add3A_400 = arith.constant 4 : i32
        %add3A_401 = arith.addi %add3A_379, %add3A_400 : i32
        %ge3A = arith.constant 5 : i32
        %ge3A_402 = arith.cmpi sge, %add3A_401, %ge3A : i32
        %convert_element_type3A_403 = arith.extui %ge3A_402 : i1 to i32
        %cond3A_404 = arith.constant 0 : i32
        %cond3A_405 = arith.cmpi ne, %convert_element_type3A_403, %cond3A_404 : i32
        scf.if %cond3A_405 {
          %add3A_414 = arith.constant 4 : i32
          %add3A_415 = arith.addi %add3A_379, %add3A_414 : i32
          %sub3A = arith.constant 5 : i32
          %sub3A_416 = arith.subi %add3A_415, %sub3A : i32
          %dma_wait3A_417 = arith.constant 0 : i32
          %dma_wait3A_418 = tpu.memref_slice %arg7[%sub3A_416, %dma_wait3A_417] : memref<160x128xi32, #tpu.memory_space<vmem>> -> memref<1x128xi32, #tpu.memory_space<vmem>>
          %dma_wait3A_419 = tpu.memref_squeeze %dma_wait3A_418 : memref<1x128xi32, #tpu.memory_space<vmem>> -> memref<128xi32, #tpu.memory_space<vmem>>
          %dma_wait3A_420 = arith.constant 0 : i32
          %dma_wait3A_421 = arith.constant 0 : i32
          %dma_wait3A_422 = tpu.memref_slice %arg23[%dma_wait3A_420, %dma_wait3A_421] : memref<10240x64xf32, #tpu.memory_space<vmem_shared>> -> memref<10240x64xf32, #tpu.memory_space<vmem_shared>>
          tpu.wait_indirect_dma semaphore(%arg21 : memref<!tpu.dma_semaphore, #tpu.memory_space<semaphore_mem>>) src(%arg11 : memref<128x64xf32, #tpu.memory_space<vmem>>) dst(%dma_wait3A_422 : memref<10240x64xf32, #tpu.memory_space<vmem_shared>>)
        } else {
        }
        %add3A_406 = arith.constant 4 : i32
        %add3A_407 = arith.addi %add3A_379, %add3A_406 : i32
        %dma_start3A_408 = arith.constant 0 : i32
        %dma_start3A_409 = tpu.memref_slice %arg6[%add3A_407, %dma_start3A_408] : memref<160x128xi32, #tpu.memory_space<vmem>> -> memref<1x128xi32, #tpu.memory_space<vmem>>
        %dma_start3A_410 = tpu.memref_squeeze %dma_start3A_409 : memref<1x128xi32, #tpu.memory_space<vmem>> -> memref<128xi32, #tpu.memory_space<vmem>>
        %dma_start3A_411 = arith.constant 0 : i32
        %dma_start3A_412 = arith.constant 0 : i32
        %dma_start3A_413 = tpu.memref_slice %arg2[%dma_start3A_411, %dma_start3A_412] : memref<20000x64xf32, #tpu.memory_space<hbm>> -> memref<20000x64xf32, #tpu.memory_space<hbm>>
        tpu.enqueue_indirect_dma source(%dma_start3A_413 : memref<20000x64xf32, #tpu.memory_space<hbm>>) target(%arg11 : memref<128x64xf32, #tpu.memory_space<vmem>>) offsets(%dma_start3A_410 : memref<128xi32, #tpu.memory_space<vmem>>) semaphore(%arg16 : memref<!tpu.dma_semaphore, #tpu.memory_space<semaphore_mem>>)
      } else {
      }
      %dma_wait3A_387 = arith.constant 0 : i32
      %dma_wait3A_388 = tpu.memref_slice %arg6[%add3A_379, %dma_wait3A_387] : memref<160x128xi32, #tpu.memory_space<vmem>> -> memref<1x128xi32, #tpu.memory_space<vmem>>
      %dma_wait3A_389 = tpu.memref_squeeze %dma_wait3A_388 : memref<1x128xi32, #tpu.memory_space<vmem>> -> memref<128xi32, #tpu.memory_space<vmem>>
      %dma_wait3A_390 = arith.constant 0 : i32
      %dma_wait3A_391 = arith.constant 0 : i32
      %dma_wait3A_392 = tpu.memref_slice %arg2[%dma_wait3A_390, %dma_wait3A_391] : memref<20000x64xf32, #tpu.memory_space<hbm>> -> memref<20000x64xf32, #tpu.memory_space<hbm>>
      tpu.wait_indirect_dma semaphore(%arg17 : memref<!tpu.dma_semaphore, #tpu.memory_space<semaphore_mem>>) src(%dma_wait3A_392 : memref<20000x64xf32, #tpu.memory_space<hbm>>) dst(%arg12 : memref<128x64xf32, #tpu.memory_space<vmem>>)
      %dma_start3A_393 = arith.constant 0 : i32
      %dma_start3A_394 = tpu.memref_slice %arg7[%add3A_379, %dma_start3A_393] : memref<160x128xi32, #tpu.memory_space<vmem>> -> memref<1x128xi32, #tpu.memory_space<vmem>>
      %dma_start3A_395 = tpu.memref_squeeze %dma_start3A_394 : memref<1x128xi32, #tpu.memory_space<vmem>> -> memref<128xi32, #tpu.memory_space<vmem>>
      %dma_start3A_396 = arith.constant 0 : i32
      %dma_start3A_397 = arith.constant 0 : i32
      %dma_start3A_398 = tpu.memref_slice %arg23[%dma_start3A_396, %dma_start3A_397] : memref<10240x64xf32, #tpu.memory_space<vmem_shared>> -> memref<10240x64xf32, #tpu.memory_space<vmem_shared>>
      tpu.enqueue_indirect_dma source(%arg12 : memref<128x64xf32, #tpu.memory_space<vmem>>) target(%dma_start3A_398 : memref<10240x64xf32, #tpu.memory_space<vmem_shared>>) offsets(%dma_start3A_395 : memref<128xi32, #tpu.memory_space<vmem>>) semaphore(%arg22 : memref<!tpu.dma_semaphore, #tpu.memory_space<semaphore_mem>>) {add = true}
      %scan3A_399 = arith.constant 0 : i32
      scf.yield %scan3A_399 : i32
    }
    %scan3A_148 = arith.constant 32 : i32
    %dma_wait3A_149 = arith.constant 155 : i32
    %dma_wait3A_150 = arith.constant 0 : i32
    %dma_wait3A_151 = tpu.memref_slice %arg7[%dma_wait3A_149, %dma_wait3A_150] : memref<160x128xi32, #tpu.memory_space<vmem>> -> memref<1x128xi32, #tpu.memory_space<vmem>>
    %dma_wait3A_152 = tpu.memref_squeeze %dma_wait3A_151 : memref<1x128xi32, #tpu.memory_space<vmem>> -> memref<128xi32, #tpu.memory_space<vmem>>
    %dma_wait3A_153 = arith.constant 0 : i32
    %dma_wait3A_154 = arith.constant 0 : i32
    %dma_wait3A_155 = tpu.memref_slice %arg23[%dma_wait3A_153, %dma_wait3A_154] : memref<10240x64xf32, #tpu.memory_space<vmem_shared>> -> memref<10240x64xf32, #tpu.memory_space<vmem_shared>>
    tpu.wait_indirect_dma semaphore(%arg18 : memref<!tpu.dma_semaphore, #tpu.memory_space<semaphore_mem>>) src(%arg8 : memref<128x64xf32, #tpu.memory_space<vmem>>) dst(%dma_wait3A_155 : memref<10240x64xf32, #tpu.memory_space<vmem_shared>>)
    %dma_wait3A_156 = arith.constant 156 : i32
    %dma_wait3A_157 = arith.constant 0 : i32
    %dma_wait3A_158 = tpu.memref_slice %arg7[%dma_wait3A_156, %dma_wait3A_157] : memref<160x128xi32, #tpu.memory_space<vmem>> -> memref<1x128xi32, #tpu.memory_space<vmem>>
    %dma_wait3A_159 = tpu.memref_squeeze %dma_wait3A_158 : memref<1x128xi32, #tpu.memory_space<vmem>> -> memref<128xi32, #tpu.memory_space<vmem>>
    %dma_wait3A_160 = arith.constant 0 : i32
    %dma_wait3A_161 = arith.constant 0 : i32
    %dma_wait3A_162 = tpu.memref_slice %arg23[%dma_wait3A_160, %dma_wait3A_161] : memref<10240x64xf32, #tpu.memory_space<vmem_shared>> -> memref<10240x64xf32, #tpu.memory_space<vmem_shared>>
    tpu.wait_indirect_dma semaphore(%arg19 : memref<!tpu.dma_semaphore, #tpu.memory_space<semaphore_mem>>) src(%arg9 : memref<128x64xf32, #tpu.memory_space<vmem>>) dst(%dma_wait3A_162 : memref<10240x64xf32, #tpu.memory_space<vmem_shared>>)
    %dma_wait3A_163 = arith.constant 157 : i32
    %dma_wait3A_164 = arith.constant 0 : i32
    %dma_wait3A_165 = tpu.memref_slice %arg7[%dma_wait3A_163, %dma_wait3A_164] : memref<160x128xi32, #tpu.memory_space<vmem>> -> memref<1x128xi32, #tpu.memory_space<vmem>>
    %dma_wait3A_166 = tpu.memref_squeeze %dma_wait3A_165 : memref<1x128xi32, #tpu.memory_space<vmem>> -> memref<128xi32, #tpu.memory_space<vmem>>
    %dma_wait3A_167 = arith.constant 0 : i32
    %dma_wait3A_168 = arith.constant 0 : i32
    %dma_wait3A_169 = tpu.memref_slice %arg23[%dma_wait3A_167, %dma_wait3A_168] : memref<10240x64xf32, #tpu.memory_space<vmem_shared>> -> memref<10240x64xf32, #tpu.memory_space<vmem_shared>>
    tpu.wait_indirect_dma semaphore(%arg20 : memref<!tpu.dma_semaphore, #tpu.memory_space<semaphore_mem>>) src(%arg10 : memref<128x64xf32, #tpu.memory_space<vmem>>) dst(%dma_wait3A_169 : memref<10240x64xf32, #tpu.memory_space<vmem_shared>>)
    %dma_wait3A_170 = arith.constant 158 : i32
    %dma_wait3A_171 = arith.constant 0 : i32
    %dma_wait3A_172 = tpu.memref_slice %arg7[%dma_wait3A_170, %dma_wait3A_171] : memref<160x128xi32, #tpu.memory_space<vmem>> -> memref<1x128xi32, #tpu.memory_space<vmem>>
    %dma_wait3A_173 = tpu.memref_squeeze %dma_wait3A_172 : memref<1x128xi32, #tpu.memory_space<vmem>> -> memref<128xi32, #tpu.memory_space<vmem>>
    %dma_wait3A_174 = arith.constant 0 : i32
    %dma_wait3A_175 = arith.constant 0 : i32
    %dma_wait3A_176 = tpu.memref_slice %arg23[%dma_wait3A_174, %dma_wait3A_175] : memref<10240x64xf32, #tpu.memory_space<vmem_shared>> -> memref<10240x64xf32, #tpu.memory_space<vmem_shared>>
    tpu.wait_indirect_dma semaphore(%arg21 : memref<!tpu.dma_semaphore, #tpu.memory_space<semaphore_mem>>) src(%arg11 : memref<128x64xf32, #tpu.memory_space<vmem>>) dst(%dma_wait3A_176 : memref<10240x64xf32, #tpu.memory_space<vmem_shared>>)
    %dma_wait3A_177 = arith.constant 159 : i32
    %dma_wait3A_178 = arith.constant 0 : i32
    %dma_wait3A_179 = tpu.memref_slice %arg7[%dma_wait3A_177, %dma_wait3A_178] : memref<160x128xi32, #tpu.memory_space<vmem>> -> memref<1x128xi32, #tpu.memory_space<vmem>>
    %dma_wait3A_180 = tpu.memref_squeeze %dma_wait3A_179 : memref<1x128xi32, #tpu.memory_space<vmem>> -> memref<128xi32, #tpu.memory_space<vmem>>
    %dma_wait3A_181 = arith.constant 0 : i32
    %dma_wait3A_182 = arith.constant 0 : i32
    %dma_wait3A_183 = tpu.memref_slice %arg23[%dma_wait3A_181, %dma_wait3A_182] : memref<10240x64xf32, #tpu.memory_space<vmem_shared>> -> memref<10240x64xf32, #tpu.memory_space<vmem_shared>>
    tpu.wait_indirect_dma semaphore(%arg22 : memref<!tpu.dma_semaphore, #tpu.memory_space<semaphore_mem>>) src(%arg12 : memref<128x64xf32, #tpu.memory_space<vmem>>) dst(%dma_wait3A_183 : memref<10240x64xf32, #tpu.memory_space<vmem_shared>>)
    %barrier3A_184 = arith.constant 0 : index
    tpu.barrier barrier_id(%barrier3A_184)
    %mul3A_185 = arith.constant 640 : i32
    %mul3A_186 = arith.muli %arg1, %mul3A_185 : i32
    %add3A_187 = arith.constant 0 : i32
    %add3A_188 = arith.addi %mul3A_186, %add3A_187 : i32
    "tpu.region"() ({
      %run_scoped3A = tpu.sem_alloc : memref<!tpu.dma_semaphore, #tpu.memory_space<semaphore_mem>>
      %dma_start3A_285 = arith.constant 0 : i32
      %dma_start3A_286 = tpu.memref_slice %arg23[%add3A_188, %dma_start3A_285] : memref<10240x64xf32, #tpu.memory_space<vmem_shared>> -> memref<128x64xf32, #tpu.memory_space<vmem_shared>>
      %dma_start3A_287 = arith.constant 0 : i32
      %dma_start3A_288 = tpu.memref_slice %arg23[%add3A_188, %dma_start3A_287] : memref<10240x64xf32, #tpu.memory_space<vmem_shared>> -> memref<128x64xf32, #tpu.memory_space<vmem_shared>>
      tpu.enqueue_dma source(%dma_start3A_288 : memref<128x64xf32, #tpu.memory_space<vmem_shared>>) target(%arg8 : memref<128x64xf32, #tpu.memory_space<vmem>>) target_semaphore(%run_scoped3A : memref<!tpu.dma_semaphore, #tpu.memory_space<semaphore_mem>>)
      %dma_wait3A_289 = arith.constant 0 : i32
      %dma_wait3A_290 = tpu.memref_slice %arg23[%add3A_188, %dma_wait3A_289] : memref<10240x64xf32, #tpu.memory_space<vmem_shared>> -> memref<128x64xf32, #tpu.memory_space<vmem_shared>>
      %dma_wait3A_291 = arith.constant 0 : i32
      %dma_wait3A_292 = tpu.memref_slice %arg23[%add3A_188, %dma_wait3A_291] : memref<10240x64xf32, #tpu.memory_space<vmem_shared>> -> memref<128x64xf32, #tpu.memory_space<vmem_shared>>
      tpu.wait_dma2 semaphore(%run_scoped3A : memref<!tpu.dma_semaphore, #tpu.memory_space<semaphore_mem>>) src(%dma_wait3A_292 : memref<128x64xf32, #tpu.memory_space<vmem_shared>>) dst(%arg8 : memref<128x64xf32, #tpu.memory_space<vmem>>)
      tpu.yield
    }) : () -> ()
    %dma_start3A_189 = arith.constant 0 : i32
    %dma_start3A_190 = tpu.memref_slice %arg5[%arg0, %add3A_188, %dma_start3A_189] : memref<2x10240x64xf32, #tpu.memory_space<hbm>> -> memref<1x128x64xf32, #tpu.memory_space<hbm>>
    %dma_start3A_191 = tpu.memref_squeeze %dma_start3A_190 : memref<1x128x64xf32, #tpu.memory_space<hbm>> -> memref<128x64xf32, #tpu.memory_space<hbm>>
    %dma_start3A_192 = arith.constant 0 : i32
    %dma_start3A_193 = tpu.memref_slice %arg5[%arg0, %add3A_188, %dma_start3A_192] : memref<2x10240x64xf32, #tpu.memory_space<hbm>> -> memref<1x128x64xf32, #tpu.memory_space<hbm>>
    %dma_start3A_194 = tpu.memref_squeeze %dma_start3A_193 : memref<1x128x64xf32, #tpu.memory_space<hbm>> -> memref<128x64xf32, #tpu.memory_space<hbm>>
    tpu.enqueue_dma source(%arg8 : memref<128x64xf32, #tpu.memory_space<vmem>>) target(%dma_start3A_194 : memref<128x64xf32, #tpu.memory_space<hbm>>) target_semaphore(%arg18 : memref<!tpu.dma_semaphore, #tpu.memory_space<semaphore_mem>>)
    %mul3A_195 = arith.constant 640 : i32
    %mul3A_196 = arith.muli %arg1, %mul3A_195 : i32
    %add3A_197 = arith.constant 128 : i32
    %add3A_198 = arith.addi %mul3A_196, %add3A_197 : i32
    "tpu.region"() ({
      %run_scoped3A = tpu.sem_alloc : memref<!tpu.dma_semaphore, #tpu.memory_space<semaphore_mem>>
      %dma_start3A_285 = arith.constant 0 : i32
      %dma_start3A_286 = tpu.memref_slice %arg23[%add3A_198, %dma_start3A_285] : memref<10240x64xf32, #tpu.memory_space<vmem_shared>> -> memref<128x64xf32, #tpu.memory_space<vmem_shared>>
      %dma_start3A_287 = arith.constant 0 : i32
      %dma_start3A_288 = tpu.memref_slice %arg23[%add3A_198, %dma_start3A_287] : memref<10240x64xf32, #tpu.memory_space<vmem_shared>> -> memref<128x64xf32, #tpu.memory_space<vmem_shared>>
      tpu.enqueue_dma source(%dma_start3A_288 : memref<128x64xf32, #tpu.memory_space<vmem_shared>>) target(%arg9 : memref<128x64xf32, #tpu.memory_space<vmem>>) target_semaphore(%run_scoped3A : memref<!tpu.dma_semaphore, #tpu.memory_space<semaphore_mem>>)
      %dma_wait3A_289 = arith.constant 0 : i32
      %dma_wait3A_290 = tpu.memref_slice %arg23[%add3A_198, %dma_wait3A_289] : memref<10240x64xf32, #tpu.memory_space<vmem_shared>> -> memref<128x64xf32, #tpu.memory_space<vmem_shared>>
      %dma_wait3A_291 = arith.constant 0 : i32
      %dma_wait3A_292 = tpu.memref_slice %arg23[%add3A_198, %dma_wait3A_291] : memref<10240x64xf32, #tpu.memory_space<vmem_shared>> -> memref<128x64xf32, #tpu.memory_space<vmem_shared>>
      tpu.wait_dma2 semaphore(%run_scoped3A : memref<!tpu.dma_semaphore, #tpu.memory_space<semaphore_mem>>) src(%dma_wait3A_292 : memref<128x64xf32, #tpu.memory_space<vmem_shared>>) dst(%arg9 : memref<128x64xf32, #tpu.memory_space<vmem>>)
      tpu.yield
    }) : () -> ()
    %dma_start3A_199 = arith.constant 0 : i32
    %dma_start3A_200 = tpu.memref_slice %arg5[%arg0, %add3A_198, %dma_start3A_199] : memref<2x10240x64xf32, #tpu.memory_space<hbm>> -> memref<1x128x64xf32, #tpu.memory_space<hbm>>
    %dma_start3A_201 = tpu.memref_squeeze %dma_start3A_200 : memref<1x128x64xf32, #tpu.memory_space<hbm>> -> memref<128x64xf32, #tpu.memory_space<hbm>>
    %dma_start3A_202 = arith.constant 0 : i32
    %dma_start3A_203 = tpu.memref_slice %arg5[%arg0, %add3A_198, %dma_start3A_202] : memref<2x10240x64xf32, #tpu.memory_space<hbm>> -> memref<1x128x64xf32, #tpu.memory_space<hbm>>
    %dma_start3A_204 = tpu.memref_squeeze %dma_start3A_203 : memref<1x128x64xf32, #tpu.memory_space<hbm>> -> memref<128x64xf32, #tpu.memory_space<hbm>>
    tpu.enqueue_dma source(%arg9 : memref<128x64xf32, #tpu.memory_space<vmem>>) target(%dma_start3A_204 : memref<128x64xf32, #tpu.memory_space<hbm>>) target_semaphore(%arg19 : memref<!tpu.dma_semaphore, #tpu.memory_space<semaphore_mem>>)
    %mul3A_205 = arith.constant 640 : i32
    %mul3A_206 = arith.muli %arg1, %mul3A_205 : i32
    %add3A_207 = arith.constant 256 : i32
    %add3A_208 = arith.addi %mul3A_206, %add3A_207 : i32
    "tpu.region"() ({
      %run_scoped3A = tpu.sem_alloc : memref<!tpu.dma_semaphore, #tpu.memory_space<semaphore_mem>>
      %dma_start3A_285 = arith.constant 0 : i32
      %dma_start3A_286 = tpu.memref_slice %arg23[%add3A_208, %dma_start3A_285] : memref<10240x64xf32, #tpu.memory_space<vmem_shared>> -> memref<128x64xf32, #tpu.memory_space<vmem_shared>>
      %dma_start3A_287 = arith.constant 0 : i32
      %dma_start3A_288 = tpu.memref_slice %arg23[%add3A_208, %dma_start3A_287] : memref<10240x64xf32, #tpu.memory_space<vmem_shared>> -> memref<128x64xf32, #tpu.memory_space<vmem_shared>>
      tpu.enqueue_dma source(%dma_start3A_288 : memref<128x64xf32, #tpu.memory_space<vmem_shared>>) target(%arg10 : memref<128x64xf32, #tpu.memory_space<vmem>>) target_semaphore(%run_scoped3A : memref<!tpu.dma_semaphore, #tpu.memory_space<semaphore_mem>>)
      %dma_wait3A_289 = arith.constant 0 : i32
      %dma_wait3A_290 = tpu.memref_slice %arg23[%add3A_208, %dma_wait3A_289] : memref<10240x64xf32, #tpu.memory_space<vmem_shared>> -> memref<128x64xf32, #tpu.memory_space<vmem_shared>>
      %dma_wait3A_291 = arith.constant 0 : i32
      %dma_wait3A_292 = tpu.memref_slice %arg23[%add3A_208, %dma_wait3A_291] : memref<10240x64xf32, #tpu.memory_space<vmem_shared>> -> memref<128x64xf32, #tpu.memory_space<vmem_shared>>
      tpu.wait_dma2 semaphore(%run_scoped3A : memref<!tpu.dma_semaphore, #tpu.memory_space<semaphore_mem>>) src(%dma_wait3A_292 : memref<128x64xf32, #tpu.memory_space<vmem_shared>>) dst(%arg10 : memref<128x64xf32, #tpu.memory_space<vmem>>)
      tpu.yield
    }) : () -> ()
    %dma_start3A_209 = arith.constant 0 : i32
    %dma_start3A_210 = tpu.memref_slice %arg5[%arg0, %add3A_208, %dma_start3A_209] : memref<2x10240x64xf32, #tpu.memory_space<hbm>> -> memref<1x128x64xf32, #tpu.memory_space<hbm>>
    %dma_start3A_211 = tpu.memref_squeeze %dma_start3A_210 : memref<1x128x64xf32, #tpu.memory_space<hbm>> -> memref<128x64xf32, #tpu.memory_space<hbm>>
    %dma_start3A_212 = arith.constant 0 : i32
    %dma_start3A_213 = tpu.memref_slice %arg5[%arg0, %add3A_208, %dma_start3A_212] : memref<2x10240x64xf32, #tpu.memory_space<hbm>> -> memref<1x128x64xf32, #tpu.memory_space<hbm>>
    %dma_start3A_214 = tpu.memref_squeeze %dma_start3A_213 : memref<1x128x64xf32, #tpu.memory_space<hbm>> -> memref<128x64xf32, #tpu.memory_space<hbm>>
    tpu.enqueue_dma source(%arg10 : memref<128x64xf32, #tpu.memory_space<vmem>>) target(%dma_start3A_214 : memref<128x64xf32, #tpu.memory_space<hbm>>) target_semaphore(%arg20 : memref<!tpu.dma_semaphore, #tpu.memory_space<semaphore_mem>>)
    %mul3A_215 = arith.constant 640 : i32
    %mul3A_216 = arith.muli %arg1, %mul3A_215 : i32
    %add3A_217 = arith.constant 384 : i32
    %add3A_218 = arith.addi %mul3A_216, %add3A_217 : i32
    "tpu.region"() ({
      %run_scoped3A = tpu.sem_alloc : memref<!tpu.dma_semaphore, #tpu.memory_space<semaphore_mem>>
      %dma_start3A_285 = arith.constant 0 : i32
      %dma_start3A_286 = tpu.memref_slice %arg23[%add3A_218, %dma_start3A_285] : memref<10240x64xf32, #tpu.memory_space<vmem_shared>> -> memref<128x64xf32, #tpu.memory_space<vmem_shared>>
      %dma_start3A_287 = arith.constant 0 : i32
      %dma_start3A_288 = tpu.memref_slice %arg23[%add3A_218, %dma_start3A_287] : memref<10240x64xf32, #tpu.memory_space<vmem_shared>> -> memref<128x64xf32, #tpu.memory_space<vmem_shared>>
      tpu.enqueue_dma source(%dma_start3A_288 : memref<128x64xf32, #tpu.memory_space<vmem_shared>>) target(%arg11 : memref<128x64xf32, #tpu.memory_space<vmem>>) target_semaphore(%run_scoped3A : memref<!tpu.dma_semaphore, #tpu.memory_space<semaphore_mem>>)
      %dma_wait3A_289 = arith.constant 0 : i32
      %dma_wait3A_290 = tpu.memref_slice %arg23[%add3A_218, %dma_wait3A_289] : memref<10240x64xf32, #tpu.memory_space<vmem_shared>> -> memref<128x64xf32, #tpu.memory_space<vmem_shared>>
      %dma_wait3A_291 = arith.constant 0 : i32
      %dma_wait3A_292 = tpu.memref_slice %arg23[%add3A_218, %dma_wait3A_291] : memref<10240x64xf32, #tpu.memory_space<vmem_shared>> -> memref<128x64xf32, #tpu.memory_space<vmem_shared>>
      tpu.wait_dma2 semaphore(%run_scoped3A : memref<!tpu.dma_semaphore, #tpu.memory_space<semaphore_mem>>) src(%dma_wait3A_292 : memref<128x64xf32, #tpu.memory_space<vmem_shared>>) dst(%arg11 : memref<128x64xf32, #tpu.memory_space<vmem>>)
      tpu.yield
    }) : () -> ()
    %dma_start3A_219 = arith.constant 0 : i32
    %dma_start3A_220 = tpu.memref_slice %arg5[%arg0, %add3A_218, %dma_start3A_219] : memref<2x10240x64xf32, #tpu.memory_space<hbm>> -> memref<1x128x64xf32, #tpu.memory_space<hbm>>
    %dma_start3A_221 = tpu.memref_squeeze %dma_start3A_220 : memref<1x128x64xf32, #tpu.memory_space<hbm>> -> memref<128x64xf32, #tpu.memory_space<hbm>>
    %dma_start3A_222 = arith.constant 0 : i32
    %dma_start3A_223 = tpu.memref_slice %arg5[%arg0, %add3A_218, %dma_start3A_222] : memref<2x10240x64xf32, #tpu.memory_space<hbm>> -> memref<1x128x64xf32, #tpu.memory_space<hbm>>
    %dma_start3A_224 = tpu.memref_squeeze %dma_start3A_223 : memref<1x128x64xf32, #tpu.memory_space<hbm>> -> memref<128x64xf32, #tpu.memory_space<hbm>>
    tpu.enqueue_dma source(%arg11 : memref<128x64xf32, #tpu.memory_space<vmem>>) target(%dma_start3A_224 : memref<128x64xf32, #tpu.memory_space<hbm>>) target_semaphore(%arg21 : memref<!tpu.dma_semaphore, #tpu.memory_space<semaphore_mem>>)
    %mul3A_225 = arith.constant 640 : i32
    %mul3A_226 = arith.muli %arg1, %mul3A_225 : i32
    %add3A_227 = arith.constant 512 : i32
    %add3A_228 = arith.addi %mul3A_226, %add3A_227 : i32
    "tpu.region"() ({
      %run_scoped3A = tpu.sem_alloc : memref<!tpu.dma_semaphore, #tpu.memory_space<semaphore_mem>>
      %dma_start3A_285 = arith.constant 0 : i32
      %dma_start3A_286 = tpu.memref_slice %arg23[%add3A_228, %dma_start3A_285] : memref<10240x64xf32, #tpu.memory_space<vmem_shared>> -> memref<128x64xf32, #tpu.memory_space<vmem_shared>>
      %dma_start3A_287 = arith.constant 0 : i32
      %dma_start3A_288 = tpu.memref_slice %arg23[%add3A_228, %dma_start3A_287] : memref<10240x64xf32, #tpu.memory_space<vmem_shared>> -> memref<128x64xf32, #tpu.memory_space<vmem_shared>>
      tpu.enqueue_dma source(%dma_start3A_288 : memref<128x64xf32, #tpu.memory_space<vmem_shared>>) target(%arg12 : memref<128x64xf32, #tpu.memory_space<vmem>>) target_semaphore(%run_scoped3A : memref<!tpu.dma_semaphore, #tpu.memory_space<semaphore_mem>>)
      %dma_wait3A_289 = arith.constant 0 : i32
      %dma_wait3A_290 = tpu.memref_slice %arg23[%add3A_228, %dma_wait3A_289] : memref<10240x64xf32, #tpu.memory_space<vmem_shared>> -> memref<128x64xf32, #tpu.memory_space<vmem_shared>>
      %dma_wait3A_291 = arith.constant 0 : i32
      %dma_wait3A_292 = tpu.memref_slice %arg23[%add3A_228, %dma_wait3A_291] : memref<10240x64xf32, #tpu.memory_space<vmem_shared>> -> memref<128x64xf32, #tpu.memory_space<vmem_shared>>
      tpu.wait_dma2 semaphore(%run_scoped3A : memref<!tpu.dma_semaphore, #tpu.memory_space<semaphore_mem>>) src(%dma_wait3A_292 : memref<128x64xf32, #tpu.memory_space<vmem_shared>>) dst(%arg12 : memref<128x64xf32, #tpu.memory_space<vmem>>)
      tpu.yield
    }) : () -> ()
    %dma_start3A_229 = arith.constant 0 : i32
    %dma_start3A_230 = tpu.memref_slice %arg5[%arg0, %add3A_228, %dma_start3A_229] : memref<2x10240x64xf32, #tpu.memory_space<hbm>> -> memref<1x128x64xf32, #tpu.memory_space<hbm>>
    %dma_start3A_231 = tpu.memref_squeeze %dma_start3A_230 : memref<1x128x64xf32, #tpu.memory_space<hbm>> -> memref<128x64xf32, #tpu.memory_space<hbm>>
    %dma_start3A_232 = arith.constant 0 : i32
    %dma_start3A_233 = tpu.memref_slice %arg5[%arg0, %add3A_228, %dma_start3A_232] : memref<2x10240x64xf32, #tpu.memory_space<hbm>> -> memref<1x128x64xf32, #tpu.memory_space<hbm>>
    %dma_start3A_234 = tpu.memref_squeeze %dma_start3A_233 : memref<1x128x64xf32, #tpu.memory_space<hbm>> -> memref<128x64xf32, #tpu.memory_space<hbm>>
    tpu.enqueue_dma source(%arg12 : memref<128x64xf32, #tpu.memory_space<vmem>>) target(%dma_start3A_234 : memref<128x64xf32, #tpu.memory_space<hbm>>) target_semaphore(%arg22 : memref<!tpu.dma_semaphore, #tpu.memory_space<semaphore_mem>>)
    %mul3A_235 = arith.constant 640 : i32
    %mul3A_236 = arith.muli %arg1, %mul3A_235 : i32
    %add3A_237 = arith.constant 0 : i32
    %add3A_238 = arith.addi %mul3A_236, %add3A_237 : i32
    %dma_wait3A_239 = arith.constant 0 : i32
    %dma_wait3A_240 = tpu.memref_slice %arg5[%arg0, %add3A_238, %dma_wait3A_239] : memref<2x10240x64xf32, #tpu.memory_space<hbm>> -> memref<1x128x64xf32, #tpu.memory_space<hbm>>
    %dma_wait3A_241 = tpu.memref_squeeze %dma_wait3A_240 : memref<1x128x64xf32, #tpu.memory_space<hbm>> -> memref<128x64xf32, #tpu.memory_space<hbm>>
    %dma_wait3A_242 = arith.constant 0 : i32
    %dma_wait3A_243 = tpu.memref_slice %arg5[%arg0, %add3A_238, %dma_wait3A_242] : memref<2x10240x64xf32, #tpu.memory_space<hbm>> -> memref<1x128x64xf32, #tpu.memory_space<hbm>>
    %dma_wait3A_244 = tpu.memref_squeeze %dma_wait3A_243 : memref<1x128x64xf32, #tpu.memory_space<hbm>> -> memref<128x64xf32, #tpu.memory_space<hbm>>
    tpu.wait_dma2 semaphore(%arg18 : memref<!tpu.dma_semaphore, #tpu.memory_space<semaphore_mem>>) src(%arg8 : memref<128x64xf32, #tpu.memory_space<vmem>>) dst(%dma_wait3A_244 : memref<128x64xf32, #tpu.memory_space<hbm>>)
    %mul3A_245 = arith.constant 640 : i32
    %mul3A_246 = arith.muli %arg1, %mul3A_245 : i32
    %add3A_247 = arith.constant 128 : i32
    %add3A_248 = arith.addi %mul3A_246, %add3A_247 : i32
    %dma_wait3A_249 = arith.constant 0 : i32
    %dma_wait3A_250 = tpu.memref_slice %arg5[%arg0, %add3A_248, %dma_wait3A_249] : memref<2x10240x64xf32, #tpu.memory_space<hbm>> -> memref<1x128x64xf32, #tpu.memory_space<hbm>>
    %dma_wait3A_251 = tpu.memref_squeeze %dma_wait3A_250 : memref<1x128x64xf32, #tpu.memory_space<hbm>> -> memref<128x64xf32, #tpu.memory_space<hbm>>
    %dma_wait3A_252 = arith.constant 0 : i32
    %dma_wait3A_253 = tpu.memref_slice %arg5[%arg0, %add3A_248, %dma_wait3A_252] : memref<2x10240x64xf32, #tpu.memory_space<hbm>> -> memref<1x128x64xf32, #tpu.memory_space<hbm>>
    %dma_wait3A_254 = tpu.memref_squeeze %dma_wait3A_253 : memref<1x128x64xf32, #tpu.memory_space<hbm>> -> memref<128x64xf32, #tpu.memory_space<hbm>>
    tpu.wait_dma2 semaphore(%arg19 : memref<!tpu.dma_semaphore, #tpu.memory_space<semaphore_mem>>) src(%arg9 : memref<128x64xf32, #tpu.memory_space<vmem>>) dst(%dma_wait3A_254 : memref<128x64xf32, #tpu.memory_space<hbm>>)
    %mul3A_255 = arith.constant 640 : i32
    %mul3A_256 = arith.muli %arg1, %mul3A_255 : i32
    %add3A_257 = arith.constant 256 : i32
    %add3A_258 = arith.addi %mul3A_256, %add3A_257 : i32
    %dma_wait3A_259 = arith.constant 0 : i32
    %dma_wait3A_260 = tpu.memref_slice %arg5[%arg0, %add3A_258, %dma_wait3A_259] : memref<2x10240x64xf32, #tpu.memory_space<hbm>> -> memref<1x128x64xf32, #tpu.memory_space<hbm>>
    %dma_wait3A_261 = tpu.memref_squeeze %dma_wait3A_260 : memref<1x128x64xf32, #tpu.memory_space<hbm>> -> memref<128x64xf32, #tpu.memory_space<hbm>>
    %dma_wait3A_262 = arith.constant 0 : i32
    %dma_wait3A_263 = tpu.memref_slice %arg5[%arg0, %add3A_258, %dma_wait3A_262] : memref<2x10240x64xf32, #tpu.memory_space<hbm>> -> memref<1x128x64xf32, #tpu.memory_space<hbm>>
    %dma_wait3A_264 = tpu.memref_squeeze %dma_wait3A_263 : memref<1x128x64xf32, #tpu.memory_space<hbm>> -> memref<128x64xf32, #tpu.memory_space<hbm>>
    tpu.wait_dma2 semaphore(%arg20 : memref<!tpu.dma_semaphore, #tpu.memory_space<semaphore_mem>>) src(%arg10 : memref<128x64xf32, #tpu.memory_space<vmem>>) dst(%dma_wait3A_264 : memref<128x64xf32, #tpu.memory_space<hbm>>)
    %mul3A_265 = arith.constant 640 : i32
    %mul3A_266 = arith.muli %arg1, %mul3A_265 : i32
    %add3A_267 = arith.constant 384 : i32
    %add3A_268 = arith.addi %mul3A_266, %add3A_267 : i32
    %dma_wait3A_269 = arith.constant 0 : i32
    %dma_wait3A_270 = tpu.memref_slice %arg5[%arg0, %add3A_268, %dma_wait3A_269] : memref<2x10240x64xf32, #tpu.memory_space<hbm>> -> memref<1x128x64xf32, #tpu.memory_space<hbm>>
    %dma_wait3A_271 = tpu.memref_squeeze %dma_wait3A_270 : memref<1x128x64xf32, #tpu.memory_space<hbm>> -> memref<128x64xf32, #tpu.memory_space<hbm>>
    %dma_wait3A_272 = arith.constant 0 : i32
    %dma_wait3A_273 = tpu.memref_slice %arg5[%arg0, %add3A_268, %dma_wait3A_272] : memref<2x10240x64xf32, #tpu.memory_space<hbm>> -> memref<1x128x64xf32, #tpu.memory_space<hbm>>
    %dma_wait3A_274 = tpu.memref_squeeze %dma_wait3A_273 : memref<1x128x64xf32, #tpu.memory_space<hbm>> -> memref<128x64xf32, #tpu.memory_space<hbm>>
    tpu.wait_dma2 semaphore(%arg21 : memref<!tpu.dma_semaphore, #tpu.memory_space<semaphore_mem>>) src(%arg11 : memref<128x64xf32, #tpu.memory_space<vmem>>) dst(%dma_wait3A_274 : memref<128x64xf32, #tpu.memory_space<hbm>>)
    %mul3A_275 = arith.constant 640 : i32
    %mul3A_276 = arith.muli %arg1, %mul3A_275 : i32
    %add3A_277 = arith.constant 512 : i32
    %add3A_278 = arith.addi %mul3A_276, %add3A_277 : i32
    %dma_wait3A_279 = arith.constant 0 : i32
    %dma_wait3A_280 = tpu.memref_slice %arg5[%arg0, %add3A_278, %dma_wait3A_279] : memref<2x10240x64xf32, #tpu.memory_space<hbm>> -> memref<1x128x64xf32, #tpu.memory_space<hbm>>
    %dma_wait3A_281 = tpu.memref_squeeze %dma_wait3A_280 : memref<1x128x64xf32, #tpu.memory_space<hbm>> -> memref<128x64xf32, #tpu.memory_space<hbm>>
    %dma_wait3A_282 = arith.constant 0 : i32
    %dma_wait3A_283 = tpu.memref_slice %arg5[%arg0, %add3A_278, %dma_wait3A_282] : memref<2x10240x64xf32, #tpu.memory_space<hbm>> -> memref<1x128x64xf32, #tpu.memory_space<hbm>>
    %dma_wait3A_284 = tpu.memref_squeeze %dma_wait3A_283 : memref<1x128x64xf32, #tpu.memory_space<hbm>> -> memref<128x64xf32, #tpu.memory_space<hbm>>
    tpu.wait_dma2 semaphore(%arg22 : memref<!tpu.dma_semaphore, #tpu.memory_space<semaphore_mem>>) src(%arg12 : memref<128x64xf32, #tpu.memory_space<vmem>>) dst(%dma_wait3A_284 : memref<128x64xf32, #tpu.memory_space<hbm>>)
    return
  }
}

module attributes {stable_mosaic.version = 14 : i64} {
  func.func @_mm_body(%arg0: i32, %arg1: memref<10000x128xf32, #tpu.memory_space<vmem>>, %arg2: memref<128x128xf32, #tpu.memory_space<vmem>>, %arg3: memref<10000x128xf32, #tpu.memory_space<vmem>>) attributes {dimension_semantics = [#tpu.dimension_semantics<arbitrary>], iteration_bounds = array<i64: 1>, scalar_prefetch = 0 : i64, scratch_operands = 0 : i64, tpu.core_type = #tpu.core_type<tc>, window_params = [{transform_indices = @transform_0, window_bounds = array<i64: 10000, 128>}, {pipeline_mode = #tpu.pipeline_mode<synchronous>, transform_indices = @transform_1, window_bounds = array<i64: 128, 128>}, {transform_indices = @transform_2, window_bounds = array<i64: 10000, 128>}]} {
    %get3A = arith.constant 0 : index
    %get3A_0 = arith.constant 0 : index
    %get3A_1 = vector.load %arg1[%get3A, %get3A_0] : memref<10000x128xf32, #tpu.memory_space<vmem>>, vector<10000x128xf32>
    %get3A_2 = arith.constant 0 : index
    %get3A_3 = arith.constant 0 : index
    %get3A_4 = vector.load %arg2[%get3A_2, %get3A_3] : memref<128x128xf32, #tpu.memory_space<vmem>>, vector<128x128xf32>
    %dot_general3A = arith.constant dense<0.000000e+00> : vector<10000x128xf32>
    %dot_general3A_5 = tpu.matmul %get3A_1, %get3A_4, %dot_general3A {dimension_numbers = #tpu.dot_dimension_numbers<[1], [0], [0], [1], [0, 0, 1, 1], [], []>, transpose_lhs_hint = false} : vector<10000x128xf32>, vector<128x128xf32>, vector<10000x128xf32> -> vector<10000x128xf32>
    %swap3A = arith.constant 0 : index
    %swap3A_6 = arith.constant 0 : index
    %swap3A_7 = vector.load %arg3[%swap3A, %swap3A_6] : memref<10000x128xf32, #tpu.memory_space<vmem>>, vector<10000x128xf32>
    tpu.vector_store %arg3[%swap3A, %swap3A_6], %dot_general3A_5 {strides = array<i32>} : memref<10000x128xf32, #tpu.memory_space<vmem>>, vector<10000x128xf32>,
    return
  }
  func.func @transform_0(%arg0: i32) -> (i32, i32) {
    %c0_i32 = arith.constant 0 : i32
    %c0_i32_0 = arith.constant 0 : i32
    return %arg0, %c0_i32 : i32, i32
  }
  func.func @transform_1(%arg0: i32) -> (i32, i32) {
    %c0_i32 = arith.constant 0 : i32
    %c0_i32_0 = arith.constant 0 : i32
    %c0_i32_1 = arith.constant 0 : i32
    return %c0_i32, %c0_i32_0 : i32, i32
  }
  func.func @transform_2(%arg0: i32) -> (i32, i32) {
    %c0_i32 = arith.constant 0 : i32
    %c0_i32_0 = arith.constant 0 : i32
    return %arg0, %c0_i32 : i32, i32
  }
}

module attributes {stable_mosaic.version = 14 : i64} {
  func.func @_scale_body(%arg0: i32, %arg1: memref<10000x128xf32, #tpu.memory_space<vmem>>, %arg2: memref<10000x2xf32, #tpu.memory_space<vmem>>, %arg3: memref<10000x128xf32, #tpu.memory_space<vmem>>) attributes {dimension_semantics = [#tpu.dimension_semantics<arbitrary>], iteration_bounds = array<i64: 1>, scalar_prefetch = 0 : i64, scratch_operands = 0 : i64, tpu.core_type = #tpu.core_type<tc>, window_params = [{transform_indices = @transform_0, window_bounds = array<i64: 10000, 128>}, {transform_indices = @transform_1, window_bounds = array<i64: 10000, 2>}, {transform_indices = @transform_2, window_bounds = array<i64: 10000, 128>}]} {
    %get3A = arith.constant 0 : index
    %get3A_0 = arith.constant 0 : index
    %get3A_1 = vector.load %arg2[%get3A, %get3A_0] : memref<10000x2xf32, #tpu.memory_space<vmem>>, vector<10000x1xf32>
    %get3A_2 = vector.shape_cast %get3A_1 : vector<10000x1xf32> to vector<10000xf32>
    %get3A_3 = arith.constant 0 : index
    %get3A_4 = arith.constant 1 : index
    %get3A_5 = vector.load %arg2[%get3A_3, %get3A_4] : memref<10000x2xf32, #tpu.memory_space<vmem>>, vector<10000x1xf32>
    %get3A_6 = vector.shape_cast %get3A_5 : vector<10000x1xf32> to vector<10000xf32>
    %add3A = arith.addf %get3A_2, %get3A_6 : vector<10000xf32>
    %add3A_7 = arith.constant 1.000000e+00 : f32
    %add3A_8 = vector.broadcast %add3A_7 : f32 to vector<10000xf32>
    %add3A_9 = arith.addf %add3A, %add3A_8 : vector<10000xf32>
    %rsqrt3A = math.rsqrt %add3A_9 : vector<10000xf32>
    %get3A_10 = arith.constant 0 : index
    %get3A_11 = arith.constant 0 : index
    %get3A_12 = vector.load %arg1[%get3A_10, %get3A_11] : memref<10000x128xf32, #tpu.memory_space<vmem>>, vector<10000x128xf32>
    %broadcast_in_dim3A = vector.shape_cast %rsqrt3A : vector<10000xf32> to vector<10000x1xf32>
    %mul3A = vector.broadcast %broadcast_in_dim3A : vector<10000x1xf32> to vector<10000x128xf32>
    %mul3A_13 = arith.mulf %get3A_12, %mul3A : vector<10000x128xf32>
    %swap3A = arith.constant 0 : index
    %swap3A_14 = arith.constant 0 : index
    %swap3A_15 = vector.load %arg3[%swap3A, %swap3A_14] : memref<10000x128xf32, #tpu.memory_space<vmem>>, vector<10000x128xf32>
    tpu.vector_store %arg3[%swap3A, %swap3A_14], %mul3A_13 {strides = array<i32>} : memref<10000x128xf32, #tpu.memory_space<vmem>>, vector<10000x128xf32>,
    return
  }
  func.func @transform_0(%arg0: i32) -> (i32, i32) {
    %c0_i32 = arith.constant 0 : i32
    %c0_i32_0 = arith.constant 0 : i32
    return %arg0, %c0_i32 : i32, i32
  }
  func.func @transform_1(%arg0: i32) -> (i32, i32) {
    %c0_i32 = arith.constant 0 : i32
    %c0_i32_0 = arith.constant 0 : i32
    return %arg0, %c0_i32 : i32, i32
  }
  func.func @transform_2(%arg0: i32) -> (i32, i32) {
    %c0_i32 = arith.constant 0 : i32
    %c0_i32_0 = arith.constant 0 : i32
    return %arg0, %c0_i32 : i32, i32
  }
}

module attributes {stable_mosaic.version = 14 : i64} {
  func.func @_fin_body(%arg0: i32, %arg1: memref<2x10000x64xf32, #tpu.memory_space<vmem>>, %arg2: memref<10000x128xf32, #tpu.memory_space<vmem>>, %arg3: memref<10000x2xf32, #tpu.memory_space<vmem>>, %arg4: memref<1x128xf32, #tpu.memory_space<vmem>>, %arg5: memref<10000x128xf32, #tpu.memory_space<vmem>>) attributes {dimension_semantics = [#tpu.dimension_semantics<arbitrary>], iteration_bounds = array<i64: 1>, scalar_prefetch = 0 : i64, scratch_operands = 0 : i64, tpu.core_type = #tpu.core_type<tc>, window_params = [{transform_indices = @transform_0, window_bounds = array<i64: 2, 10000, 64>}, {transform_indices = @transform_1, window_bounds = array<i64: 10000, 128>}, {transform_indices = @transform_2, window_bounds = array<i64: 10000, 2>}, {pipeline_mode = #tpu.pipeline_mode<synchronous>, transform_indices = @transform_3, window_bounds = array<i64: 1, 128>}, {transform_indices = @transform_4, window_bounds = array<i64: 10000, 128>}]} {
    %get3A = arith.constant 0 : index
    %get3A_0 = arith.constant 0 : index
    %get3A_1 = vector.load %arg3[%get3A, %get3A_0] : memref<10000x2xf32, #tpu.memory_space<vmem>>, vector<10000x1xf32>
    %get3A_2 = vector.shape_cast %get3A_1 : vector<10000x1xf32> to vector<10000xf32>
    %get3A_3 = arith.constant 0 : index
    %get3A_4 = arith.constant 1 : index
    %get3A_5 = vector.load %arg3[%get3A_3, %get3A_4] : memref<10000x2xf32, #tpu.memory_space<vmem>>, vector<10000x1xf32>
    %get3A_6 = vector.shape_cast %get3A_5 : vector<10000x1xf32> to vector<10000xf32>
    %add3A = arith.addf %get3A_2, %get3A_6 : vector<10000xf32>
    %add3A_7 = arith.constant 1.000000e+00 : f32
    %add3A_8 = vector.broadcast %add3A_7 : f32 to vector<10000xf32>
    %add3A_9 = arith.addf %add3A, %add3A_8 : vector<10000xf32>
    %rsqrt3A = math.rsqrt %add3A_9 : vector<10000xf32>
    %get3A_10 = arith.constant 0 : index
    %get3A_11 = arith.constant 0 : index
    %get3A_12 = arith.constant 0 : index
    %get3A_13 = vector.load %arg1[%get3A_10, %get3A_11, %get3A_12] : memref<2x10000x64xf32, #tpu.memory_space<vmem>>, vector<1x10000x64xf32>
    %get3A_14 = vector.shape_cast %get3A_13 : vector<1x10000x64xf32> to vector<10000x64xf32>
    %get3A_15 = arith.constant 1 : index
    %get3A_16 = arith.constant 0 : index
    %get3A_17 = arith.constant 0 : index
    %get3A_18 = vector.load %arg1[%get3A_15, %get3A_16, %get3A_17] : memref<2x10000x64xf32, #tpu.memory_space<vmem>>, vector<1x10000x64xf32>
    %get3A_19 = vector.shape_cast %get3A_18 : vector<1x10000x64xf32> to vector<10000x64xf32>
    %concatenate3A = tpu.concatenate %get3A_14, %get3A_19 in 1 : vector<10000x64xf32>, vector<10000x64xf32> -> vector<10000x128xf32>
    %get3A_20 = arith.constant 0 : index
    %get3A_21 = arith.constant 0 : index
    %get3A_22 = vector.load %arg2[%get3A_20, %get3A_21] : memref<10000x128xf32, #tpu.memory_space<vmem>>, vector<10000x128xf32>
    %add3A_23 = arith.addf %concatenate3A, %get3A_22 : vector<10000x128xf32>
    %broadcast_in_dim3A = vector.shape_cast %rsqrt3A : vector<10000xf32> to vector<10000x1xf32>
    %mul3A = vector.broadcast %broadcast_in_dim3A : vector<10000x1xf32> to vector<10000x128xf32>
    %mul3A_24 = arith.mulf %add3A_23, %mul3A : vector<10000x128xf32>
    %get3A_25 = arith.constant 0 : index
    %get3A_26 = arith.constant 0 : index
    %get3A_27 = vector.load %arg4[%get3A_25, %get3A_26] : memref<1x128xf32, #tpu.memory_space<vmem>>, vector<1x128xf32>
    %add3A_28 = vector.broadcast %get3A_27 : vector<1x128xf32> to vector<10000x128xf32>
    %add3A_29 = arith.addf %mul3A_24, %add3A_28 : vector<10000x128xf32>
    %max3A = arith.constant 0.000000e+00 : f32
    %max3A_30 = vector.broadcast %max3A : f32 to vector<10000x128xf32>
    %max3A_31 = arith.maximumf %add3A_29, %max3A_30 : vector<10000x128xf32>
    %swap3A = arith.constant 0 : index
    %swap3A_32 = arith.constant 0 : index
    %swap3A_33 = vector.load %arg5[%swap3A, %swap3A_32] : memref<10000x128xf32, #tpu.memory_space<vmem>>, vector<10000x128xf32>
    tpu.vector_store %arg5[%swap3A, %swap3A_32], %max3A_31 {strides = array<i32>} : memref<10000x128xf32, #tpu.memory_space<vmem>>, vector<10000x128xf32>,
    return
  }
  func.func @transform_0(%arg0: i32) -> (i32, i32, i32) {
    %c0_i32 = arith.constant 0 : i32
    %c0_i32_0 = arith.constant 0 : i32
    %c0_i32_1 = arith.constant 0 : i32
    return %c0_i32, %arg0, %c0_i32_0 : i32, i32, i32
  }
  func.func @transform_1(%arg0: i32) -> (i32, i32) {
    %c0_i32 = arith.constant 0 : i32
    %c0_i32_0 = arith.constant 0 : i32
    return %arg0, %c0_i32 : i32, i32
  }
  func.func @transform_2(%arg0: i32) -> (i32, i32) {
    %c0_i32 = arith.constant 0 : i32
    %c0_i32_0 = arith.constant 0 : i32
    return %arg0, %c0_i32 : i32, i32
  }
  func.func @transform_3(%arg0: i32) -> (i32, i32) {
    %c0_i32 = arith.constant 0 : i32
    %c0_i32_0 = arith.constant 0 : i32
    %c0_i32_1 = arith.constant 0 : i32
    return %c0_i32, %c0_i32_0 : i32, i32
  }
  func.func @transform_4(%arg0: i32) -> (i32, i32) {
    %c0_i32 = arith.constant 0 : i32
    %c0_i32_0 = arith.constant 0 : i32
    return %arg0, %c0_i32 : i32, i32
  }
}

</mosaic_0001>

<sc_bundles>
// kernel: kernel.10.cloned.1.call-start
scs
__scs_entry_jumppad:
0x0: {  	(pc) =	sbr.rel $0x88, $3  }
0x1: {  	(tag) =	ssettag $0x0;
	lr =	simm.s32 $0x1  }
0x2: {  	[smem:$0x3F9D] =	sst lr;
	_ =	strace $0xD0000000  }
0x3: {  	_ = 	snop  }
0x4: {  	_ = 	snop  }
0x5: {  	_ = 	snop  }
0x6: {  	_ = 	snop  }
0x7: {  	_ = 	snop  }
__scs_overlays_trampoline_lowered:
0x8: {  	[smem:$0x3FAC] =	sst s0  }
0x9: {  	[smem:$0x3FAD] =	sst s1  }
0xa: {  	[smem:$0x3FAE] =	sst s2  }
0xb: {  	[smem:$0x3FAF] =	sst s3  }
0xc: {  	[smem:$0x3FB0] =	sst s4  }
0xd: {  	[smem:$0x3FB1] =	sst s5  }
0xe: {  	[smem:$0x3FB2] =	sst s6  }
0xf: {  	[smem:$0x3FB3] =	sst s7  }
0x10: {  	[smem:$0x3FB4] =	sst s8  }
0x11: {  	[smem:$0x3FB5] =	sst s9;
	s0 =	simm.s32 @!p0 $0x0  }
0x12: {  	s1 =	sld [smem:$0x3F9B];
	s0 =	simm.s32 @p0 $0x1  }
0x13: {  	[smem:$0x3FB6] =	sst s0;
	s0 =	simm.s32 @!p1 $0x0  }
0x14: {  	s2 =	sld [smem:$0x3F9A];
	s0 =	simm.s32 @p1 $0x1  }
0x15: {  	[smem:$0x3FB7] =	sst s0;
	s0 =	simm.s32 @!p2 $0x0  }
0x16: {  	s3 =	sld [smem:$0x3FDB];
	s0 =	simm.s32 @p2 $0x1  }
0x17: {  	s4 =	simm.s32 $0x1BF5;
	[smem:$0x3FB9] =	sst s0  }
0x18: {  	s0 =	sld [smem:$0x3F9C];
	_ =	swait.ge [sflag:s4], $0x0  }
0x19: {  	s7 =	sld [smem:$0x3F9D]  }
0x1a: {  	s8 =	sadd.s32 $0xFFFFE003, lr  }
0x1b: {  	s9 =	sadd.s32 $0xFFFFFEF7, lr;
	s5 =	simm.s32 $0xFFFFFFFF;
	p2 =	slt.u32 s8, $0xFFFFF086  }
0x1c: {  	p1 =	slt.u32 s9, $0xF7A;
	s5 =	simm.s32 @!p2 $0x0  }
0x1d: {  	s5 =	simm.s32 @p1 $0x1;
	p0 =	seq.s32 s7, s2  }
0x1e: {  	s7 =	smul.u32 @!p0 $0xF7A, s2;
	p2 =	seq.s32 @!p0 s5, $0x0  }
0x1f: {  	s9 =	smul.u32 $0xF7A, s1;
	s8 =	simm.s32 @!p0 $0x1BF5;
	p2 =	por !p2, p0  }
0x20: {  	[sflag:s8] =	ssyncset.s32 @!p0 $0xFFFFF086;
	s6 =	sadd.s32 @!p0 s3, s7;
	s7 =	simm.s32 @!p0 $0x108  }
0x21: {  	s3 =	sadd.s32 s3, s9;
	s6 =	sadd.s32 @!p0 $0x88, s6;
	s7 =	simm.s32 @p2 $0x1082  }
0x22: {  	[simem:s7], [sflag:s8] =	dma.local @!p0 [hbm:s6], $0xF7A  }
0x23: {  	s9 =	sor.u32 $0xD0000000, s2;
	s6 =	simm.s32 $0x108;
	_ =	swait.ge @!p0 [sflag:s8], $0x0  }
0x24: {  	s3 =	sadd.s32 $0x88, s3;
	s6 =	simm.s32 @!p1 $0x1082;
	[sflag:s4] =	ssyncset.s32 $0xFFFFF086  }
0x25: {  	[simem:s6], [sflag:s4] =	dma.local [hbm:s3], $0xF7A  }
0x26: {  	[smem:$0x3F9D] =	sst s1;
	(tag) =	ssettag s2;
	_ =	strace s9  }
0x27: {  	s1 =	sld [smem:$0x3FAD]  }
0x28: {  	s2 =	sld [smem:$0x3FAE]  }
0x29: {  	s4 =	sld [smem:$0x3FB0]  }
0x2a: {  	p0 =	seq.s32 s5, $0x0;
	s5 =	sld [smem:$0x3FB1]  }
0x2b: {  	s6 =	sld [smem:$0x3FB2]  }
0x2c: {  	s7 =	sld [smem:$0x3FB3]  }
0x2d: {  	s3 =	simm.s32 $0x108;
	s8 =	sld [smem:$0x3FB4]  }
0x2e: {  	s3 =	simm.s32 @!p0 $0x1082;
	s9 =	sld [smem:$0x3FB5]  }
0x2f: {  	lr =	sadd.s32 s0, s3;
	s0 =	sld [smem:$0x3FAC]  }
0x30: {  	s3 =	sld [smem:$0x3FAF]  }
0x31: {  	[smem:$0x3FB8] =	sst s10  }
0x32: {  	s10 =	sld [smem:$0x3FB6];
	_ =	sdelay $0x3  }
0x33: {  	p0 =	seq.s32 s10, $0x1;
	s10 =	sld [smem:$0x3FB8];
	_ =	sdelay $0x3  }
0x34: {  	[smem:$0x3FB8] =	sst s10  }
0x35: {  	s10 =	sld [smem:$0x3FB7];
	_ =	sdelay $0x3  }
0x36: {  	p1 =	seq.s32 s10, $0x1;
	s10 =	sld [smem:$0x3FB8];
	_ =	sdelay $0x3  }
0x37: {  	[smem:$0x3FB8] =	sst s10  }
0x38: {  	s10 =	sld [smem:$0x3FB9]  }
0x39: {  	_ = 	snop;
	(pc) =	sbr.ind lr, $3  }
0x3a: {  	_ = 	snop  }
0x3b: {  	_ = 	snop  }
0x3c: {  	p2 =	seq.s32 s10, $0x1;
	s10 =	sld [smem:$0x3FB8]  }
0x3d: {  	_ =	shalt  }
0x3e: {  	_ =	shalt  }
0x3f: {  	_ =	shalt  }
0x40: {  	_ =	shalt  }
0x41: {  	_ =	shalt  }
0x42: {  	_ =	shalt  }
0x43: {  	_ =	shalt  }
0x44: {  	_ =	shalt  }
0x45: {  	_ =	shalt  }
0x46: {  	_ =	shalt  }
0x47: {  	_ =	shalt  }
0x48: {  	_ =	shalt  }
0x49: {  	_ =	shalt  }
0x4a: {  	_ =	shalt  }
0x4b: {  	_ =	shalt  }
0x4c: {  	_ =	shalt  }
0x4d: {  	_ =	shalt  }
0x4e: {  	_ =	shalt  }
0x4f: {  	_ =	shalt  }
0x50: {  	_ =	shalt  }
0x51: {  	_ =	shalt  }
0x52: {  	_ =	shalt  }
0x53: {  	_ =	shalt  }
0x54: {  	_ =	shalt  }
0x55: {  	_ =	shalt  }
0x56: {  	_ =	shalt  }
0x57: {  	_ =	shalt  }
0x58: {  	_ =	shalt  }
0x59: {  	_ =	shalt  }
0x5a: {  	_ =	shalt  }
0x5b: {  	_ =	shalt  }
0x5c: {  	_ =	shalt  }
0x5d: {  	_ =	shalt  }
0x5e: {  	_ =	shalt  }
0x5f: {  	_ =	shalt  }
0x60: {  	_ =	shalt  }
0x61: {  	_ =	shalt  }
0x62: {  	_ =	shalt  }
0x63: {  	_ =	shalt  }
0x64: {  	_ =	shalt  }
0x65: {  	_ =	shalt  }
0x66: {  	_ =	shalt  }
0x67: {  	_ =	shalt  }
0x68: {  	_ =	shalt  }
0x69: {  	_ =	shalt  }
0x6a: {  	_ =	shalt  }
0x6b: {  	_ =	shalt  }
0x6c: {  	_ =	shalt  }
0x6d: {  	_ =	shalt  }
0x6e: {  	_ =	shalt  }
0x6f: {  	_ =	shalt  }
0x70: {  	_ =	shalt  }
0x71: {  	_ =	shalt  }
0x72: {  	_ =	shalt  }
0x73: {  	_ =	shalt  }
0x74: {  	_ =	shalt  }
0x75: {  	_ =	shalt  }
0x76: {  	_ =	shalt  }
0x77: {  	_ =	shalt  }
0x78: {  	_ =	shalt  }
0x79: {  	_ =	shalt  }
0x7a: {  	_ =	shalt  }
0x7b: {  	_ =	shalt  }
0x7c: {  	_ =	shalt  }
0x7d: {  	_ =	shalt  }
0x7e: {  	_ =	shalt  }
0x7f: {  	_ =	shalt  }
0x80: {  	_ =	shalt  }
0x81: {  	_ =	shalt  }
0x82: {  	_ =	shalt  }
0x83: {  	_ =	shalt  }
0x84: {  	_ =	shalt  }
0x85: {  	_ =	shalt  }
0x86: {  	_ =	shalt  }
0x87: {  	_ =	shalt  }
.Lfunc_end0:
.L_simem_size_0:
called_computation.1_lowered:
.L_overlay_start_0:
0x88: {  	s2 =	sld [smem:$0x3FD9]  }
0x89: {  	s3 =	sld [smem:$0x3FFE];
	_ =	sdelay $0x1  }
0x8a: {  	s1 =	srdreg.scid  }
0x8b: {  	s0 =	sand.u32 $0x1, s1  }
0x8c: {  	s17 =	sshll.u32 s0, $0xA;
	s2 =	sadd.s32 s3, s2  }
0x8d: {  	s2 =	sadd.s32 s2, s17  }
0x8e: {  	[smem:$0x3FC4] =	sst s2  }
0x8f: {  	_ = 	snop  }
0x90: {  	s2 =	sld [smem:$0x3FD0];
	(tm) =	ssettm $0x1  }
0x91: {  	s18 =	sld [smem:$0x3FFB];
	_ =	sdelay $0x3  }
0x92: {  	_ =	strace s18  }
0x93: {  	s3 =	sld [smem:$0x3FFC];
	_ =	sdelay $0x3  }
0x94: {  	_ =	strace s3  }
0x95: {  	s3 =	sld [smem:$0x3FFD];
	_ =	sdelay $0x3  }
0x96: {  	_ =	strace s3  }
0x97: {  	_ =	strace $0x8FFFFFFF  }
0x98: {  	s19 =	sld [smem:$0x3FDB];
	_ =	sdelay $0x1  }
0x99: {  	s4 =	simm.s32 $_scs_section_size  }
0x9a: {  	s5 =	simm.s32 $_size__tile_overlayer_lowered;
	s6 =	simm.s32 $_tile_overlayer_lowered  }
0x9b: {  	s22 =	simm.s32 $0x1BFF;
	s21 =	sshll.u32 s6, $0x1;
	s3 =	sadd.s32 s4, s19  }
0x9c: {  	s7 =	simm.s32 $0x0;
	s20 =	sshll.u32 s5, $0x1;
	s5 =	sadd.s32 s21, s3  }
0x9d: {  	[timem:s7], [sflag:s22] =	dma.local [hbm:s5], s20  }
0x9e: {  	_ =	swait.ge [sflag:s22], s20  }
0x9f: {  	s4 =	ssub.s32 $0x0, s20;
	[sflag:s22] =	ssyncset.done $0x0  }
0xa0: {  	[sflag:s22] =	ssyncadd.s32 s4;
	_ =	sdelay $0x1  }
0xa1: {  	s23 =	simm.s32 $0x1B8B  }
0xa2: {  	_ =	swait.ge [sflag:s23], $0x1  }
0xa3: {  	[sflag:s23] =	ssyncset.done $0x0  }
0xa4: {  	s25 =	simm.s32 $0x1B8E;
	s24 =	sld [smem:$0x3FFE];
	[sflag:s23] =	ssyncadd.s32 $0xFFFFFFFF  }
0xa5: {  	s26 =	simm.s32 $execute0_lowered;
	[smem:$0x3FD2] =	sst s25  }
0xa6: {  	s5 =	sshll.u32 s26, $0x1;
	_ =	strace $0x80000049;
	[dreg:$0x1] =	wrdreg $0xFFFFFFFF  }
0xa7: {  	s28 =	simm.s32 $_size_execute0_lowered;
	s3 =	sadd.s32 s3, s5;
	[dreg:$0x0] =	wrdreg $0x0  }
0xa8: {  	s5 =	sshll.u32 s28, $0x1;
	[dreg:$0x2] =	wrdreg s3  }
0xa9: {  	[dreg:$0x3] =	wrdreg s5  }
0xaa: {  	[dreg:$0x4] =	wrdreg $0xC0  }
0xab: {  	_ =	task [dreg:s7], $0x5FFFF  }
0xac: {  	[dreg:$0x1] =	wrdreg $0xFFFFFFFF  }
0xad: {  	[dreg:$0x0] =	wrdreg $0x60  }
0xae: {  	[dreg:$0x2] =	wrdreg s2  }
0xaf: {  	[dreg:$0x3] =	wrdreg s24  }
0xb0: {  	[dreg:$0x4] =	wrdreg $0x140000  }
0xb1: {  	[dreg:$0x5] =	wrdreg $0x9  }
0xb2: {  	_ =	task.clear_ibuf [dreg:s7], $0x6FFFF;
	_ =	strace $0x90000049  }
0xb3: {  	s29 =	simm.s32 $0x9;
	_ =	strace $0x8000004B  }
0xb4: {  	_ =	swait.ge [sflag:s29], $0x1  }
0xb5: {  	[sflag:s29] =	ssyncadd.s32 $0xFFFFFFFF  }
0xb6: {  	_ =	strace $0x9000004B  }
0xb7: {  	_ =	sfence  }
0xb8: {  	s30 =	sld [smem:$0x0];
	_ =	sdelay $0x2  }
0xb9: {  	s31 =	sshll.u32 s1, $0xD;
	s1 =	sshrl.u32 s1, $0x2  }
0xba: {  	s3 =	sand.u32 $0x4000, s31;
	s1 =	sadd.s32 s1, s30  }
0xbb: {  	s0 =	sor.u32 s3, s0;
	s1 =	sshll.u32 s1, $0x11  }
0xbc: {  	s0 =	sor.u32 s1, s0  }
0xbd: {  	s0 =	sadd.s32 $0x8F2B, s0  }
0xbe: {  	[sflag:s0] =	ssyncadd.remote.s32 $0x1  }
0xbf: {  	_ =	sfence.sel $0xFFFF  }
0xc0: {  	[dreg:$0x0] =	wrdreg $0xFFFFFFFF;
	(pc) =	sbr.abs _section_cstart, $3  }
0xc1: {  	[dreg:$0x1] =	wrdreg $0xFFFFFFFF  }
0xc2: {  	_ =	task.clear_ibuf [dreg:s7], $0x2FFFF;
	_ =	strace $0x9FFFFFFF  }
0xc3: {  	(tm) =	ssettm $0x7FFFFFFF  }
tec
execute0_lowered:
.L_overlay_start_1:
0x0: {  	(tag) =	ssettag $0x1  }
0x1: {  	s0 =	srdreg.scid;
	s2 =	rddreg [dreg:$0x0]  }
0x2: {  	s9 =	stileid.u32;
	s5 =	rddreg [dreg:$0x1]  }
0x3: {  	s3 =	rddreg [dreg:$0x2];
	s4 =	simm.s32 $0x0;
	s19 =	simm.s32 $0xA000  }
0x4: {  	s20 =	simm.s32 $0x6;
	s21 =	simm.s32 $0x7;
	s28 =	simm.s32 $0x80  }
0x5: {  	s29 =	simm.s32 $0xC000;
	s31 =	simm.s32 $0xE000;
	s1 =	smul.u32 $0x5000, s9  }
0x6: {  	s30 =	simm.s32 $0x3;
	s0 =	sand.u32 $0x1, s0;
	s11 =	smul.u32 $0xA000, s9  }
0x7: {  	[smem:$0x7FF] =	sst s4;
	s6 =	smul.u32 $0x50000, s0;
	s7 =	ssub.s32 $0x2, s0  }
0x8: {  	_ =	strace $0x8000004A;
	s0 =	smul.u32 $0xA0000, s0;
	s8 =	sshrl.u32 s7, $0x1  }
0x9: {  	s22 =	sadd.s32 $0x2000, s11;
	s23 =	sadd.s32 $0x4000, s11;
	s13 =	sadd.s32 $0x6000, s11  }
0xa: {  	s15 =	sadd.s32 $0x8000, s11;
	s6 =	sadd.s32 s1, s6;
	s1 =	sshrl.u32 s1, $0x3  }
0xb: {  	s12 =	ssub.s32 s7, s8;
	s7 =	sadd.s32 s11, s3;
	s8 =	sadd.s32 s22, s3  }
0xc: {  	s9 =	sadd.s32 s23, s3;
	s10 =	sadd.s32 s13, s3;
	s14 =	sadd.s32 s11, s0  }
0xd: {  	s11 =	sadd.s32 s15, s3;
	s24 =	sadd.s32 s0, s23;
	s25 =	sadd.s32 s0, s13  }
0xe: {  	s23 =	simm.s32 $0x9;
	s13 =	simm.s32 $0x0;
	s6 =	sshrl.u32 s6, $0x3  }
0xf: {  	s1 =	sadd.s32 s1, s5;
	s14 =	sshrl.u32 s14, $0x3;
	s17 =	smax.u32 s12, $0x1  }
0x10: {  	s12 =	simm.s32 $0xB;
	s6 =	sadd.s32 s6, s5;
	s1 =	sadd.s32 $0x1200, s1  }
0x11: {  	s5 =	sadd.s32 $0x1F200, s5;
	s6 =	sadd.s32 $0xB200, s6;
	[dreg:$0x5] =	wrdreg s1  }
0x12: {  	s1 =	sadd.s32 s0, s22;
	s14 =	sadd.s32 s5, s14;
	s0 =	sadd.s32 s0, s15  }
0x13: {  	s22 =	simm.s32 $0x8;
	[dreg:$0x4] =	wrdreg s6;
	s1 =	sshrl.u32 s1, $0x3  }
0x14: {  	[dreg:$0x6] =	wrdreg s14;
	s6 =	sshrl.u32 s25, $0x3;
	s0 =	sshrl.u32 s0, $0x3  }
0x15: {  	s25 =	simm.s32 $0x1;
	s1 =	sadd.s32 s5, s1;
	s26 =	sadd.s32 s5, s6  }
0x16: {  	s16 =	sadd.s32 s5, s0;
	s0 =	simm.s32 $0x10000;
	[dreg:$0x7] =	wrdreg s1  }
0x17: {  	s6 =	simm.s32 $0x5;
	s1 =	sshrl.u32 s24, $0x3;
	[dreg:$0x9] =	wrdreg s26  }
0x18: {  	s24 =	simm.s32 $0xA;
	s26 =	simm.s32 $0x2;
	s1 =	sadd.s32 s5, s1  }
0x19: {  	v0 =	vimm.f32 $0.0e+00;
	s5 =	simm.s32 $0x4;
	[dreg:$0x8] =	wrdreg s1;
	s1 =	simm.s32 $0x12000  }
.LBB2_1:
0x1a: {  	s14 =	rddreg [dreg:$0x4]  }
0x1b: {  	[tilespmem:s4], [sflag:$0x1] =	stream.linear.gather [hbm4b:s14+s4], $0x5000, $0x38;
	[tilespmem:$0x1E000] =	vst v63  }
0x1c: {  	s18 =	rddreg [dreg:$0x5];
	s15 =	simm.s32 $0x5000  }
0x1d: {  	[tilespmem:s15], [sflag:$0x2] =	stream.linear.gather [hbm4b:s18+s4], $0x5000, $0x38;
	[tilespmem:$0x1E000] =	vst v63  }
0x1e: {  	s14 =	simm.s32 $0x0;
	s18 =	simm.s32 $0x100  }
.LBB2_2:
0x1f: {  	p0 =	sne.s32 s18, $0x7F00;
	[tilespmem:s14+$0xA030] =	vst v0;
	s15 =	smov.u32 s18;
	s18 =	sadd.s32 $0x100, s18  }
.Ltmp0:
0x20: {  	[tilespmem:s14+$0xA020] =	vst v0;
	(pc) =	sbr.rel @p0 .LBB2_2-.Ltmp0, $3  }
0x21: {  	[tilespmem:s14+$0xA000] =	vst v0  }
0x22: {  	[tilespmem:s14+$0xA010] =	vst v0;
	_ =	sdelay $0x1  }
0x23: {  	s14 =	sshra.s32 s15, $0x2  }
0x24: {  	[tilespmem:s14+$0xA030] =	vst v0  }
0x25: {  	[tilespmem:s14+$0xA020] =	vst v0  }
0x26: {  	[tilespmem:s14+$0xA000] =	vst v0  }
0x27: {  	[tilespmem:s14+$0xA010] =	vst v0  }
0x28: {  	[spmem:s7] =	stream.linear.scatter [tilespmem:s19], [sflag:$0x6], $0x2000, $0x38;
	[tilespmem:$0x1E000] =	vst v63  }
0x29: {  	_ = 	snop  }
0x2a: {  	[spmem:s8] =	stream.linear.scatter [tilespmem:s19], [sflag:$0x7], $0x2000, $0x38;
	[tilespmem:$0x1E000] =	vst v63  }
0x2b: {  	_ = 	snop  }
0x2c: {  	[spmem:s9] =	stream.linear.scatter [tilespmem:s19], [sflag:$0x8], $0x2000, $0x38;
	[tilespmem:$0x1E000] =	vst v63  }
0x2d: {  	_ = 	snop  }
0x2e: {  	[spmem:s10] =	stream.linear.scatter [tilespmem:s19], [sflag:$0x9], $0x2000, $0x38;
	[tilespmem:$0x1E000] =	vst v63  }
0x2f: {  	_ = 	snop  }
0x30: {  	[spmem:s11] =	stream.linear.scatter [tilespmem:s19], [sflag:$0xA], $0x2000, $0x38;
	[tilespmem:$0x1E000] =	vst v63  }
0x31: {  	_ =	swait.ge [sflag:s20], $0x2000  }
0x32: {  	[sflag:s20] =	ssyncset.done $0x0  }
0x33: {  	[sflag:s20] =	ssyncadd.s32 $0xFFFFE000  }
0x34: {  	_ =	swait.ge [sflag:s21], $0x2000  }
0x35: {  	[sflag:s21] =	ssyncset.done $0x0  }
0x36: {  	[sflag:s21] =	ssyncadd.s32 $0xFFFFE000  }
0x37: {  	_ =	swait.ge [sflag:s22], $0x2000  }
0x38: {  	[sflag:s22] =	ssyncset.done $0x0  }
0x39: {  	[sflag:s22] =	ssyncadd.s32 $0xFFFFE000  }
0x3a: {  	_ =	swait.ge [sflag:s23], $0x2000  }
0x3b: {  	[sflag:s23] =	ssyncset.done $0x0  }
0x3c: {  	[sflag:s23] =	ssyncadd.s32 $0xFFFFE000  }
0x3d: {  	_ =	swait.ge [sflag:s24], $0x2000  }
0x3e: {  	[sflag:s24] =	ssyncset.done $0x0  }
0x3f: {  	[sflag:s24] =	ssyncadd.s32 $0xFFFFE000  }
0x40: {  	_ =	swait.ge [sflag:s25], $0x5000  }
0x41: {  	[sflag:s25] =	ssyncset.done $0x0  }
0x42: {  	[sflag:s25] =	ssyncadd.s32 $0xFFFFB000  }
0x43: {  	_ =	swait.ge [sflag:s26], $0x5000  }
0x44: {  	[sflag:s26] =	ssyncset.done $0x0  }
0x45: {  	[sflag:s26] =	ssyncadd.s32 $0xFFFFB000  }
0x46: {  	s15 =	simm.s32 $0x0;
	[bflag:$0x0] =	sbarrier.arrive $0xFFFF  }
0x47: {  	[tilespmem:s19], [sflag:$0x1] =	stream.indirect.gather [hbm4b:s2+s28], $0x40, s15, s28, $0xb8;
	[tilespmem:$0x1E000] =	vst v63  }
0x48: {  	_ = 	snop  }
0x49: {  	[tilespmem:s29], [sflag:$0x2] =	stream.indirect.gather [hbm4b:s2+s28], $0x40, s28, s28, $0xb8;
	[tilespmem:$0x1E000] =	vst v63  }
0x4a: {  	s18 =	simm.s32 $0x100  }
0x4b: {  	[tilespmem:s31], [sflag:$0x3] =	stream.indirect.gather [hbm4b:s2+s28], $0x40, s18, s28, $0xb8;
	[tilespmem:$0x1E000] =	vst v63  }
0x4c: {  	s15 =	simm.s32 $0x180  }
0x4d: {  	[tilespmem:s0], [sflag:$0x4] =	stream.indirect.gather [hbm4b:s2+s28], $0x40, s15, s28, $0xb8;
	[tilespmem:$0x1E000] =	vst v63  }
0x4e: {  	s18 =	simm.s32 $0x200  }
0x4f: {  	[tilespmem:s1], [sflag:$0x5] =	stream.indirect.gather [hbm4b:s2+s28], $0x40, s18, s28, $0xb8;
	[tilespmem:$0x1E000] =	vst v63  }
0x50: {  	_ =	swait.ge [sflag:s25], $0x2000  }
0x51: {  	[sflag:s25] =	ssyncset.done $0x0  }
0x52: {  	s15 =	simm.s32 $0x5000;
	[sflag:s25] =	ssyncadd.s32 $0xFFFFE000  }
0x53: {  	[spmem:s3] =	stream.indirect.scatter.add.f32 [tilespmem:s19], [sflag:$0x6], $0x40, s15, s28, $0xb8;
	[tilespmem:$0x1E000] =	vst v63  }
0x54: {  	_ =	swait.ge [sflag:s20], $0x2000  }
0x55: {  	[sflag:s20] =	ssyncset.done $0x0  }
0x56: {  	s18 =	simm.s32 $0x280;
	[sflag:s20] =	ssyncadd.s32 $0xFFFFE000  }
0x57: {  	[tilespmem:s19], [sflag:$0x1] =	stream.indirect.gather [hbm4b:s2+s28], $0x40, s18, s28, $0xb8;
	[tilespmem:$0x1E000] =	vst v63  }
0x58: {  	_ =	swait.ge [sflag:s26], $0x2000  }
0x59: {  	[sflag:s26] =	ssyncset.done $0x0  }
0x5a: {  	s15 =	simm.s32 $0x5080;
	[sflag:s26] =	ssyncadd.s32 $0xFFFFE000  }
0x5b: {  	[spmem:s3] =	stream.indirect.scatter.add.f32 [tilespmem:s29], [sflag:$0x7], $0x40, s15, s28, $0xb8;
	[tilespmem:$0x1E000] =	vst v63  }
0x5c: {  	_ =	swait.ge [sflag:s21], $0x2000  }
0x5d: {  	[sflag:s21] =	ssyncset.done $0x0  }
0x5e: {  	s18 =	simm.s32 $0x300;
	[sflag:s21] =	ssyncadd.s32 $0xFFFFE000  }
0x5f: {  	[tilespmem:s29], [sflag:$0x2] =	stream.indirect.gather [hbm4b:s2+s28], $0x40, s18, s28, $0xb8;
	[tilespmem:$0x1E000] =	vst v63  }
0x60: {  	_ =	swait.ge [sflag:s30], $0x2000  }
0x61: {  	[sflag:s30] =	ssyncset.done $0x0  }
0x62: {  	s15 =	simm.s32 $0x5100;
	[sflag:s30] =	ssyncadd.s32 $0xFFFFE000  }
0x63: {  	[spmem:s3] =	stream.indirect.scatter.add.f32 [tilespmem:s31], [sflag:$0x8], $0x40, s15, s28, $0xb8;
	[tilespmem:$0x1E000] =	vst v63  }
0x64: {  	_ =	swait.ge [sflag:s22], $0x2000  }
0x65: {  	[sflag:s22] =	ssyncset.done $0x0  }
0x66: {  	s18 =	simm.s32 $0x380;
	[sflag:s22] =	ssyncadd.s32 $0xFFFFE000  }
0x67: {  	[tilespmem:s31], [sflag:$0x3] =	stream.indirect.gather [hbm4b:s2+s28], $0x40, s18, s28, $0xb8;
	[tilespmem:$0x1E000] =	vst v63  }
0x68: {  	_ =	swait.ge [sflag:s5], $0x2000  }
0x69: {  	[sflag:s5] =	ssyncset.done $0x0  }
0x6a: {  	s15 =	simm.s32 $0x5180;
	[sflag:s5] =	ssyncadd.s32 $0xFFFFE000  }
0x6b: {  	[spmem:s3] =	stream.indirect.scatter.add.f32 [tilespmem:s0], [sflag:$0x9], $0x40, s15, s28, $0xb8;
	[tilespmem:$0x1E000] =	vst v63  }
0x6c: {  	_ =	swait.ge [sflag:s23], $0x2000  }
0x6d: {  	[sflag:s23] =	ssyncset.done $0x0  }
0x6e: {  	s18 =	simm.s32 $0x400;
	[sflag:s23] =	ssyncadd.s32 $0xFFFFE000  }
0x6f: {  	[tilespmem:s0], [sflag:$0x4] =	stream.indirect.gather [hbm4b:s2+s28], $0x40, s18, s28, $0xb8;
	[tilespmem:$0x1E000] =	vst v63  }
0x70: {  	_ =	swait.ge [sflag:s6], $0x2000  }
0x71: {  	[sflag:s6] =	ssyncset.done $0x0  }
0x72: {  	s15 =	simm.s32 $0x5200;
	[sflag:s6] =	ssyncadd.s32 $0xFFFFE000  }
0x73: {  	[spmem:s3] =	stream.indirect.scatter.add.f32 [tilespmem:s1], [sflag:$0xA], $0x40, s15, s28, $0xb8;
	[tilespmem:$0x1E000] =	vst v63  }
0x74: {  	_ =	swait.ge [sflag:s24], $0x2000  }
0x75: {  	[sflag:s24] =	ssyncset.done $0x0  }
0x76: {  	s18 =	simm.s32 $0x480;
	[sflag:s24] =	ssyncadd.s32 $0xFFFFE000  }
0x77: {  	[tilespmem:s1], [sflag:$0x5] =	stream.indirect.gather [hbm4b:s2+s28], $0x40, s18, s28, $0xb8;
	[tilespmem:$0x1E000] =	vst v63  }
0x78: {  	_ =	swait.ge [sflag:s25], $0x2000  }
0x79: {  	[sflag:s25] =	ssyncset.done $0x0  }
0x7a: {  	s15 =	simm.s32 $0x5280;
	[sflag:s25] =	ssyncadd.s32 $0xFFFFE000  }
0x7b: {  	[spmem:s3] =	stream.indirect.scatter.add.f32 [tilespmem:s19], [sflag:$0x6], $0x40, s15, s28, $0xb8;
	[tilespmem:$0x1E000] =	vst v63  }
0x7c: {  	_ =	swait.ge [sflag:s20], $0x2000  }
0x7d: {  	[sflag:s20] =	ssyncset.done $0x0  }
0x7e: {  	s18 =	simm.s32 $0x500;
	[sflag:s20] =	ssyncadd.s32 $0xFFFFE000  }
0x7f: {  	[tilespmem:s19], [sflag:$0x1] =	stream.indirect.gather [hbm4b:s2+s28], $0x40, s18, s28, $0xb8;
	[tilespmem:$0x1E000] =	vst v63  }
0x80: {  	_ =	swait.ge [sflag:s26], $0x2000  }
0x81: {  	[sflag:s26] =	ssyncset.done $0x0  }
0x82: {  	s15 =	simm.s32 $0x5300;
	[sflag:s26] =	ssyncadd.s32 $0xFFFFE000  }
0x83: {  	[spmem:s3] =	stream.indirect.scatter.add.f32 [tilespmem:s29], [sflag:$0x7], $0x40, s15, s28, $0xb8;
	[tilespmem:$0x1E000] =	vst v63  }
0x84: {  	_ =	swait.ge [sflag:s21], $0x2000  }
0x85: {  	[sflag:s21] =	ssyncset.done $0x0  }
0x86: {  	s18 =	simm.s32 $0x580;
	[sflag:s21] =	ssyncadd.s32 $0xFFFFE000  }
0x87: {  	[tilespmem:s29], [sflag:$0x2] =	stream.indirect.gather [hbm4b:s2+s28], $0x40, s18, s28, $0xb8;
	[tilespmem:$0x1E000] =	vst v63  }
0x88: {  	_ =	swait.ge [sflag:s30], $0x2000  }
0x89: {  	[sflag:s30] =	ssyncset.done $0x0  }
0x8a: {  	s15 =	simm.s32 $0x5380;
	[sflag:s30] =	ssyncadd.s32 $0xFFFFE000  }
0x8b: {  	[spmem:s3] =	stream.indirect.scatter.add.f32 [tilespmem:s31], [sflag:$0x8], $0x40, s15, s28, $0xb8;
	[tilespmem:$0x1E000] =	vst v63  }
0x8c: {  	_ =	swait.ge [sflag:s22], $0x2000  }
0x8d: {  	[sflag:s22] =	ssyncset.done $0x0  }
0x8e: {  	s18 =	simm.s32 $0x600;
	[sflag:s22] =	ssyncadd.s32 $0xFFFFE000  }
0x8f: {  	[tilespmem:s31], [sflag:$0x3] =	stream.indirect.gather [hbm4b:s2+s28], $0x40, s18, s28, $0xb8;
	[tilespmem:$0x1E000] =	vst v63  }
0x90: {  	_ =	swait.ge [sflag:s5], $0x2000  }
0x91: {  	[sflag:s5] =	ssyncset.done $0x0  }
0x92: {  	s15 =	simm.s32 $0x5400;
	[sflag:s5] =	ssyncadd.s32 $0xFFFFE000  }
0x93: {  	[spmem:s3] =	stream.indirect.scatter.add.f32 [tilespmem:s0], [sflag:$0x9], $0x40, s15, s28, $0xb8;
	[tilespmem:$0x1E000] =	vst v63  }
0x94: {  	_ =	swait.ge [sflag:s23], $0x2000  }
0x95: {  	[sflag:s23] =	ssyncset.done $0x0  }
0x96: {  	s18 =	simm.s32 $0x680;
	[sflag:s23] =	ssyncadd.s32 $0xFFFFE000  }
0x97: {  	[tilespmem:s0], [sflag:$0x4] =	stream.indirect.gather [hbm4b:s2+s28], $0x40, s18, s28, $0xb8;
	[tilespmem:$0x1E000] =	vst v63  }
0x98: {  	_ =	swait.ge [sflag:s6], $0x2000  }
0x99: {  	[sflag:s6] =	ssyncset.done $0x0  }
0x9a: {  	s14 =	simm.s32 $0x5480;
	s18 =	simm.s32 $0xA00;
	[sflag:s6] =	ssyncadd.s32 $0xFFFFE000  }
.LBB2_4:
0x9b: {  	[spmem:s3] =	stream.indirect.scatter.add.f32 [tilespmem:s1], [sflag:$0xA], $0x40, s14, s28, $0xb8;
	[tilespmem:$0x1E000] =	vst v63  }
0x9c: {  	s14 =	smov.u32 s18;
	s18 =	sadd.s32 $0xA00, s18;
	_ =	swait.ge [sflag:s24], $0x2000  }
0x9d: {  	s14 =	sshra.s32 s14, $0x2;
	p0 =	sne.s32 s18, $0x12C00;
	[sflag:s24] =	ssyncset.done $0x0  }
0x9e: {  	s15 =	sadd.s32 $0x480, s14;
	[sflag:s24] =	ssyncadd.s32 $0xFFFFE000  }
0x9f: {  	[tilespmem:s1], [sflag:$0x5] =	stream.indirect.gather [hbm4b:s2+s28], $0x40, s15, s28, $0xb8;
	[tilespmem:$0x1E000] =	vst v63  }
0xa0: {  	_ =	swait.ge [sflag:s25], $0x2000  }
0xa1: {  	[sflag:s25] =	ssyncset.done $0x0  }
0xa2: {  	s15 =	sadd.s32 $0x5280, s14;
	[sflag:s25] =	ssyncadd.s32 $0xFFFFE000  }
0xa3: {  	[spmem:s3] =	stream.indirect.scatter.add.f32 [tilespmem:s19], [sflag:$0x6], $0x40, s15, s28, $0xb8;
	[tilespmem:$0x1E000] =	vst v63  }
0xa4: {  	_ =	swait.ge [sflag:s20], $0x2000  }
0xa5: {  	[sflag:s20] =	ssyncset.done $0x0  }
0xa6: {  	s15 =	sadd.s32 $0x500, s14;
	[sflag:s20] =	ssyncadd.s32 $0xFFFFE000  }
0xa7: {  	[tilespmem:s19], [sflag:$0x1] =	stream.indirect.gather [hbm4b:s2+s28], $0x40, s15, s28, $0xb8;
	[tilespmem:$0x1E000] =	vst v63  }
0xa8: {  	_ =	swait.ge [sflag:s26], $0x2000  }
0xa9: {  	[sflag:s26] =	ssyncset.done $0x0  }
0xaa: {  	s15 =	sadd.s32 $0x5300, s14;
	[sflag:s26] =	ssyncadd.s32 $0xFFFFE000  }
0xab: {  	[spmem:s3] =	stream.indirect.scatter.add.f32 [tilespmem:s29], [sflag:$0x7], $0x40, s15, s28, $0xb8;
	[tilespmem:$0x1E000] =	vst v63  }
0xac: {  	_ =	swait.ge [sflag:s21], $0x2000  }
0xad: {  	[sflag:s21] =	ssyncset.done $0x0  }
0xae: {  	s15 =	sadd.s32 $0x580, s14;
	[sflag:s21] =	ssyncadd.s32 $0xFFFFE000  }
0xaf: {  	[tilespmem:s29], [sflag:$0x2] =	stream.indirect.gather [hbm4b:s2+s28], $0x40, s15, s28, $0xb8;
	[tilespmem:$0x1E000] =	vst v63  }
0xb0: {  	_ =	swait.ge [sflag:s30], $0x2000  }
0xb1: {  	[sflag:s30] =	ssyncset.done $0x0  }
0xb2: {  	s15 =	sadd.s32 $0x5380, s14;
	[sflag:s30] =	ssyncadd.s32 $0xFFFFE000  }
0xb3: {  	[spmem:s3] =	stream.indirect.scatter.add.f32 [tilespmem:s31], [sflag:$0x8], $0x40, s15, s28, $0xb8;
	[tilespmem:$0x1E000] =	vst v63  }
0xb4: {  	_ =	swait.ge [sflag:s22], $0x2000  }
0xb5: {  	[sflag:s22] =	ssyncset.done $0x0  }
0xb6: {  	s15 =	sadd.s32 $0x600, s14;
	[sflag:s22] =	ssyncadd.s32 $0xFFFFE000  }
0xb7: {  	[tilespmem:s31], [sflag:$0x3] =	stream.indirect.gather [hbm4b:s2+s28], $0x40, s15, s28, $0xb8;
	[tilespmem:$0x1E000] =	vst v63  }
0xb8: {  	_ =	swait.ge [sflag:s5], $0x2000  }
0xb9: {  	[sflag:s5] =	ssyncset.done $0x0  }
0xba: {  	s15 =	sadd.s32 $0x5400, s14;
	[sflag:s5] =	ssyncadd.s32 $0xFFFFE000  }
0xbb: {  	[spmem:s3] =	stream.indirect.scatter.add.f32 [tilespmem:s0], [sflag:$0x9], $0x40, s15, s28, $0xb8;
	[tilespmem:$0x1E000] =	vst v63  }
0xbc: {  	_ =	swait.ge [sflag:s23], $0x2000  }
0xbd: {  	[sflag:s23] =	ssyncset.done $0x0  }
.Ltmp1:
0xbe: {  	s15 =	sadd.s32 $0x680, s14;
	[sflag:s23] =	ssyncadd.s32 $0xFFFFE000;
	(pc) =	sbr.rel @p0 .LBB2_4-.Ltmp1, $4  }
0xbf: {  	[tilespmem:s0], [sflag:$0x4] =	stream.indirect.gather [hbm4b:s2+s28], $0x40, s15, s28, $0xb8;
	[tilespmem:$0x1E000] =	vst v63  }
0xc0: {  	_ =	swait.ge [sflag:s6], $0x2000  }
0xc1: {  	[sflag:s6] =	ssyncset.done $0x0  }
0xc2: {  	s14 =	sadd.s32 $0x5480, s14;
	[sflag:s6] =	ssyncadd.s32 $0xFFFFE000  }
0xc3: {  	[spmem:s3] =	stream.indirect.scatter.add.f32 [tilespmem:s1], [sflag:$0xA], $0x40, s14, s28, $0xb8;
	[tilespmem:$0x1E000] =	vst v63  }
0xc4: {  	_ =	swait.ge [sflag:s24], $0x2000  }
0xc5: {  	[sflag:s24] =	ssyncset.done $0x0  }
0xc6: {  	s15 =	simm.s32 $0x4F80;
	[sflag:s24] =	ssyncadd.s32 $0xFFFFE000  }
0xc7: {  	[tilespmem:s1], [sflag:$0x5] =	stream.indirect.gather [hbm4b:s2+s28], $0x40, s15, s28, $0xb8;
	[tilespmem:$0x1E000] =	vst v63  }
0xc8: {  	_ =	swait.ge [sflag:s25], $0x2000  }
0xc9: {  	s14 =	sshra.s32 s18, $0x2;
	[sflag:s25] =	ssyncset.done $0x0  }
0xca: {  	s15 =	sadd.s32 $0x5280, s14;
	[sflag:s25] =	ssyncadd.s32 $0xFFFFE000  }
0xcb: {  	[spmem:s3] =	stream.indirect.scatter.add.f32 [tilespmem:s19], [sflag:$0x6], $0x40, s15, s28, $0xb8;
	[tilespmem:$0x1E000] =	vst v63  }
0xcc: {  	_ =	swait.ge [sflag:s26], $0x2000  }
0xcd: {  	[sflag:s26] =	ssyncset.done $0x0  }
0xce: {  	s18 =	sadd.s32 $0x5300, s14;
	[sflag:s26] =	ssyncadd.s32 $0xFFFFE000  }
0xcf: {  	[spmem:s3] =	stream.indirect.scatter.add.f32 [tilespmem:s29], [sflag:$0x7], $0x40, s18, s28, $0xb8;
	[tilespmem:$0x1E000] =	vst v63  }
0xd0: {  	_ =	swait.ge [sflag:s30], $0x2000  }
0xd1: {  	[sflag:s30] =	ssyncset.done $0x0  }
0xd2: {  	s18 =	sadd.s32 $0x5380, s14;
	[sflag:s30] =	ssyncadd.s32 $0xFFFFE000  }
0xd3: {  	[spmem:s3] =	stream.indirect.scatter.add.f32 [tilespmem:s31], [sflag:$0x8], $0x40, s18, s28, $0xb8;
	[tilespmem:$0x1E000] =	vst v63  }
0xd4: {  	_ =	swait.ge [sflag:s5], $0x2000  }
0xd5: {  	[sflag:s5] =	ssyncset.done $0x0  }
0xd6: {  	s14 =	sadd.s32 $0x5400, s14;
	[sflag:s5] =	ssyncadd.s32 $0xFFFFE000  }
0xd7: {  	[spmem:s3] =	stream.indirect.scatter.add.f32 [tilespmem:s0], [sflag:$0x9], $0x40, s14, s28, $0xb8;
	[tilespmem:$0x1E000] =	vst v63  }
0xd8: {  	_ =	swait.ge [sflag:s6], $0x2000  }
0xd9: {  	[sflag:s6] =	ssyncset.done $0x0  }
0xda: {  	s18 =	simm.s32 $0x9F80;
	[sflag:s6] =	ssyncadd.s32 $0xFFFFE000  }
0xdb: {  	[spmem:s3] =	stream.indirect.scatter.add.f32 [tilespmem:s1], [sflag:$0xA], $0x40, s18, s28, $0xb8;
	[tilespmem:$0x1E000] =	vst v63  }
0xdc: {  	_ =	swait.ge [sflag:s20], $0x2000  }
0xdd: {  	[sflag:s20] =	ssyncset.done $0x0  }
0xde: {  	[sflag:s20] =	ssyncadd.s32 $0xFFFFE000  }
0xdf: {  	_ =	swait.ge [sflag:s21], $0x2000  }
0xe0: {  	[sflag:s21] =	ssyncset.done $0x0  }
0xe1: {  	[sflag:s21] =	ssyncadd.s32 $0xFFFFE000  }
0xe2: {  	_ =	swait.ge [sflag:s22], $0x2000  }
0xe3: {  	[sflag:s22] =	ssyncset.done $0x0  }
0xe4: {  	[sflag:s22] =	ssyncadd.s32 $0xFFFFE000  }
0xe5: {  	_ =	swait.ge [sflag:s23], $0x2000  }
0xe6: {  	[sflag:s23] =	ssyncset.done $0x0  }
0xe7: {  	[sflag:s23] =	ssyncadd.s32 $0xFFFFE000  }
0xe8: {  	_ =	swait.ge [sflag:s24], $0x2000  }
0xe9: {  	[sflag:s24] =	ssyncset.done $0x0  }
0xea: {  	[sflag:s24] =	ssyncadd.s32 $0xFFFFE000  }
0xeb: {  	[bflag:$0x0] =	sbarrier.arrive $0xFFFF  }
0xec: {  	[tilespmem:s19], [sflag:$0xB] =	stream.linear.gather [spmem:s7], $0x2000, $0x38;
	[tilespmem:$0x1E000] =	vst v63  }
0xed: {  	_ =	swait.ge [sflag:s12], $0x2000  }
0xee: {  	[sflag:s12] =	ssyncset.done $0x0  }
0xef: {  	s15 =	rddreg [dreg:$0x6];
	[sflag:s12] =	ssyncadd.s32 $0xFFFFE000  }
0xf0: {  	[hbm4b:s15+s4] =	stream.linear.scatter [tilespmem:s19], [sflag:$0x6], $0x2000, $0x38;
	[tilespmem:$0x1E000] =	vst v63  }
0xf1: {  	_ = 	snop  }
0xf2: {  	[tilespmem:s29], [sflag:$0xB] =	stream.linear.gather [spmem:s8], $0x2000, $0x38;
	[tilespmem:$0x1E000] =	vst v63  }
0xf3: {  	_ =	swait.ge [sflag:s12], $0x2000  }
0xf4: {  	[sflag:s12] =	ssyncset.done $0x0  }
0xf5: {  	s18 =	rddreg [dreg:$0x7];
	[sflag:s12] =	ssyncadd.s32 $0xFFFFE000  }
0xf6: {  	[hbm4b:s18+s4] =	stream.linear.scatter [tilespmem:s29], [sflag:$0x7], $0x2000, $0x38;
	[tilespmem:$0x1E000] =	vst v63  }
0xf7: {  	_ = 	snop  }
0xf8: {  	[tilespmem:s31], [sflag:$0xB] =	stream.linear.gather [spmem:s9], $0x2000, $0x38;
	[tilespmem:$0x1E000] =	vst v63  }
0xf9: {  	_ =	swait.ge [sflag:s12], $0x2000  }
0xfa: {  	[sflag:s12] =	ssyncset.done $0x0  }
0xfb: {  	s15 =	rddreg [dreg:$0x8];
	[sflag:s12] =	ssyncadd.s32 $0xFFFFE000  }
0xfc: {  	[hbm4b:s15+s4] =	stream.linear.scatter [tilespmem:s31], [sflag:$0x8], $0x2000, $0x38;
	[tilespmem:$0x1E000] =	vst v63  }
0xfd: {  	_ = 	snop  }
0xfe: {  	[tilespmem:s0], [sflag:$0xB] =	stream.linear.gather [spmem:s10], $0x2000, $0x38;
	[tilespmem:$0x1E000] =	vst v63  }
0xff: {  	_ =	swait.ge [sflag:s12], $0x2000  }
0x100: {  	[sflag:s12] =	ssyncset.done $0x0  }
0x101: {  	s18 =	rddreg [dreg:$0x9];
	[sflag:s12] =	ssyncadd.s32 $0xFFFFE000  }
0x102: {  	[hbm4b:s18+s4] =	stream.linear.scatter [tilespmem:s0], [sflag:$0x9], $0x2000, $0x38;
	[tilespmem:$0x1E000] =	vst v63  }
0x103: {  	_ = 	snop  }
0x104: {  	[tilespmem:s1], [sflag:$0xB] =	stream.linear.gather [spmem:s11], $0x2000, $0x38;
	[tilespmem:$0x1E000] =	vst v63  }
0x105: {  	_ =	swait.ge [sflag:s12], $0x2000  }
0x106: {  	[sflag:s12] =	ssyncset.done $0x0  }
0x107: {  	[sflag:s12] =	ssyncadd.s32 $0xFFFFE000  }
0x108: {  	[hbm4b:s16+s4] =	stream.linear.scatter [tilespmem:s1], [sflag:$0xA], $0x2000, $0x38;
	[tilespmem:$0x1E000] =	vst v63  }
0x109: {  	_ =	swait.ge [sflag:s20], $0x2000  }
0x10a: {  	[sflag:s20] =	ssyncset.done $0x0  }
0x10b: {  	[sflag:s20] =	ssyncadd.s32 $0xFFFFE000  }
0x10c: {  	_ =	swait.ge [sflag:s21], $0x2000  }
0x10d: {  	[sflag:s21] =	ssyncset.done $0x0  }
0x10e: {  	[sflag:s21] =	ssyncadd.s32 $0xFFFFE000  }
0x10f: {  	_ =	swait.ge [sflag:s22], $0x2000  }
0x110: {  	[sflag:s22] =	ssyncset.done $0x0  }
0x111: {  	s13 =	sadd.s32 $0x1, s13;
	[sflag:s22] =	ssyncadd.s32 $0xFFFFE000  }
0x112: {  	p0 =	sne.s32 s13, s17;
	_ =	swait.ge [sflag:s23], $0x2000  }
.Ltmp2:
0x113: {  	[sflag:s23] =	ssyncset.done $0x0;
	(pc) =	sbr.rel @p0 .LBB2_1-.Ltmp2, $4  }
0x114: {  	[sflag:s23] =	ssyncadd.s32 $0xFFFFE000  }
0x115: {  	_ =	swait.ge [sflag:s24], $0x2000  }
0x116: {  	[sflag:s24] =	ssyncset.done $0x0  }
0x117: {  	[sflag:s24] =	ssyncadd.s32 $0xFFFFE000  }
0x118: {  	_ =	sfence.sel $0x180000  }
0x119: {  	[bflag:$0x0] =	sbarrier.arrive $0xFFFF  }
0x11a: {  	_ =	strace $0x9000004A  }
0x11b: {  	s0 =	stileid.u32;
	[bflag:$0x2] =	sbarrier.arrive $0xFFFF  }
0x11c: {  	p0 =	sne.s32 s0, $0x0;
	s0 =	rddreg [dreg:$0x3]  }
0x11d: {  	s0 =	sadd.s32 @!p0 $0x100000, s0  }
0x11e: {  	[sflag:s0] =	ssyncadd.tile.s32 @!p0 $0x1;
	_ =	shalt  }
.Lfunc_end2:
_tile_overlayer_lowered:
.L_overlay_start_2:
0x11f: {  	(tag) =	ssettag $0x2  }
0x120: {  	s0 =	rddreg [dreg:$0x0];
	s2 =	stileid.u32  }
0x121: {  	s1 =	rddreg [dreg:$0x1];
	p0 =	sne.s32 s2, $0x0  }
0x122: {  	s3 =	rddreg [dreg:$0x2];
	[bflag:$0x3] =	sbarrier.arrive $0xFFFF;
	s2 =	simm.s32 @!p0 $0x1C0B  }
0x123: {  	[timem:s3], [sflag:s2] =	dma.local @!p0 [hbm:s0], s1  }
0x124: {  	s0 =	simm.s32 @!p0 $0xB  }
0x125: {  	_ =	swait.ge @!p0 [sflag:s0], s1  }
0x126: {  	s1 =	ssub.s32 @!p0 $0x0, s1;
	[sflag:s0] =	ssyncset.done @!p0 $0x0  }
0x127: {  	[sflag:s0] =	ssyncadd.s32 @!p0 s1  }
0x128: {  	[bflag:$0x3] =	sbarrier.arrive $0xFFFF  }
0x129: {  	_ =	shalt  }

// kernel: kernel.7.cloned.1.call-start
scs
__scs_entry_jumppad:
0x0: {  	(pc) =	sbr.rel $0x88, $3  }
0x1: {  	(tag) =	ssettag $0x0;
	lr =	simm.s32 $0x1  }
0x2: {  	[smem:$0x3F9D] =	sst lr;
	_ =	strace $0xD0000000  }
0x3: {  	_ = 	snop  }
0x4: {  	_ = 	snop  }
0x5: {  	_ = 	snop  }
0x6: {  	_ = 	snop  }
0x7: {  	_ = 	snop  }
__scs_overlays_trampoline_lowered:
0x8: {  	[smem:$0x3FAC] =	sst s0  }
0x9: {  	[smem:$0x3FAD] =	sst s1  }
0xa: {  	[smem:$0x3FAE] =	sst s2  }
0xb: {  	[smem:$0x3FAF] =	sst s3  }
0xc: {  	[smem:$0x3FB0] =	sst s4  }
0xd: {  	[smem:$0x3FB1] =	sst s5  }
0xe: {  	[smem:$0x3FB2] =	sst s6  }
0xf: {  	[smem:$0x3FB3] =	sst s7  }
0x10: {  	[smem:$0x3FB4] =	sst s8  }
0x11: {  	[smem:$0x3FB5] =	sst s9;
	s0 =	simm.s32 @!p0 $0x0  }
0x12: {  	s1 =	sld [smem:$0x3F9B];
	s0 =	simm.s32 @p0 $0x1  }
0x13: {  	[smem:$0x3FB6] =	sst s0;
	s0 =	simm.s32 @!p1 $0x0  }
0x14: {  	s2 =	sld [smem:$0x3F9A];
	s0 =	simm.s32 @p1 $0x1  }
0x15: {  	[smem:$0x3FB7] =	sst s0;
	s0 =	simm.s32 @!p2 $0x0  }
0x16: {  	s3 =	sld [smem:$0x3FDB];
	s0 =	simm.s32 @p2 $0x1  }
0x17: {  	s4 =	simm.s32 $0x1BF5;
	[smem:$0x3FB9] =	sst s0  }
0x18: {  	s0 =	sld [smem:$0x3F9C];
	_ =	swait.ge [sflag:s4], $0x0  }
0x19: {  	s7 =	sld [smem:$0x3F9D]  }
0x1a: {  	s8 =	sadd.s32 $0xFFFFE003, lr  }
0x1b: {  	s9 =	sadd.s32 $0xFFFFFEF7, lr;
	s5 =	simm.s32 $0xFFFFFFFF;
	p2 =	slt.u32 s8, $0xFFFFF086  }
0x1c: {  	p1 =	slt.u32 s9, $0xF7A;
	s5 =	simm.s32 @!p2 $0x0  }
0x1d: {  	s5 =	simm.s32 @p1 $0x1;
	p0 =	seq.s32 s7, s2  }
0x1e: {  	s7 =	smul.u32 @!p0 $0xF7A, s2;
	p2 =	seq.s32 @!p0 s5, $0x0  }
0x1f: {  	s9 =	smul.u32 $0xF7A, s1;
	s8 =	simm.s32 @!p0 $0x1BF5;
	p2 =	por !p2, p0  }
0x20: {  	[sflag:s8] =	ssyncset.s32 @!p0 $0xFFFFF086;
	s6 =	sadd.s32 @!p0 s3, s7;
	s7 =	simm.s32 @!p0 $0x108  }
0x21: {  	s3 =	sadd.s32 s3, s9;
	s6 =	sadd.s32 @!p0 $0x88, s6;
	s7 =	simm.s32 @p2 $0x1082  }
0x22: {  	[simem:s7], [sflag:s8] =	dma.local @!p0 [hbm:s6], $0xF7A  }
0x23: {  	s9 =	sor.u32 $0xD0000000, s2;
	s6 =	simm.s32 $0x108;
	_ =	swait.ge @!p0 [sflag:s8], $0x0  }
0x24: {  	s3 =	sadd.s32 $0x88, s3;
	s6 =	simm.s32 @!p1 $0x1082;
	[sflag:s4] =	ssyncset.s32 $0xFFFFF086  }
0x25: {  	[simem:s6], [sflag:s4] =	dma.local [hbm:s3], $0xF7A  }
0x26: {  	[smem:$0x3F9D] =	sst s1;
	(tag) =	ssettag s2;
	_ =	strace s9  }
0x27: {  	s1 =	sld [smem:$0x3FAD]  }
0x28: {  	s2 =	sld [smem:$0x3FAE]  }
0x29: {  	s4 =	sld [smem:$0x3FB0]  }
0x2a: {  	p0 =	seq.s32 s5, $0x0;
	s5 =	sld [smem:$0x3FB1]  }
0x2b: {  	s6 =	sld [smem:$0x3FB2]  }
0x2c: {  	s7 =	sld [smem:$0x3FB3]  }
0x2d: {  	s3 =	simm.s32 $0x108;
	s8 =	sld [smem:$0x3FB4]  }
0x2e: {  	s3 =	simm.s32 @!p0 $0x1082;
	s9 =	sld [smem:$0x3FB5]  }
0x2f: {  	lr =	sadd.s32 s0, s3;
	s0 =	sld [smem:$0x3FAC]  }
0x30: {  	s3 =	sld [smem:$0x3FAF]  }
0x31: {  	[smem:$0x3FB8] =	sst s10  }
0x32: {  	s10 =	sld [smem:$0x3FB6];
	_ =	sdelay $0x3  }
0x33: {  	p0 =	seq.s32 s10, $0x1;
	s10 =	sld [smem:$0x3FB8];
	_ =	sdelay $0x3  }
0x34: {  	[smem:$0x3FB8] =	sst s10  }
0x35: {  	s10 =	sld [smem:$0x3FB7];
	_ =	sdelay $0x3  }
0x36: {  	p1 =	seq.s32 s10, $0x1;
	s10 =	sld [smem:$0x3FB8];
	_ =	sdelay $0x3  }
0x37: {  	[smem:$0x3FB8] =	sst s10  }
0x38: {  	s10 =	sld [smem:$0x3FB9]  }
0x39: {  	_ = 	snop;
	(pc) =	sbr.ind lr, $3  }
0x3a: {  	_ = 	snop  }
0x3b: {  	_ = 	snop  }
0x3c: {  	p2 =	seq.s32 s10, $0x1;
	s10 =	sld [smem:$0x3FB8]  }
0x3d: {  	_ =	shalt  }
0x3e: {  	_ =	shalt  }
0x3f: {  	_ =	shalt  }
0x40: {  	_ =	shalt  }
0x41: {  	_ =	shalt  }
0x42: {  	_ =	shalt  }
0x43: {  	_ =	shalt  }
0x44: {  	_ =	shalt  }
0x45: {  	_ =	shalt  }
0x46: {  	_ =	shalt  }
0x47: {  	_ =	shalt  }
0x48: {  	_ =	shalt  }
0x49: {  	_ =	shalt  }
0x4a: {  	_ =	shalt  }
0x4b: {  	_ =	shalt  }
0x4c: {  	_ =	shalt  }
0x4d: {  	_ =	shalt  }
0x4e: {  	_ =	shalt  }
0x4f: {  	_ =	shalt  }
0x50: {  	_ =	shalt  }
0x51: {  	_ =	shalt  }
0x52: {  	_ =	shalt  }
0x53: {  	_ =	shalt  }
0x54: {  	_ =	shalt  }
0x55: {  	_ =	shalt  }
0x56: {  	_ =	shalt  }
0x57: {  	_ =	shalt  }
0x58: {  	_ =	shalt  }
0x59: {  	_ =	shalt  }
0x5a: {  	_ =	shalt  }
0x5b: {  	_ =	shalt  }
0x5c: {  	_ =	shalt  }
0x5d: {  	_ =	shalt  }
0x5e: {  	_ =	shalt  }
0x5f: {  	_ =	shalt  }
0x60: {  	_ =	shalt  }
0x61: {  	_ =	shalt  }
0x62: {  	_ =	shalt  }
0x63: {  	_ =	shalt  }
0x64: {  	_ =	shalt  }
0x65: {  	_ =	shalt  }
0x66: {  	_ =	shalt  }
0x67: {  	_ =	shalt  }
0x68: {  	_ =	shalt  }
0x69: {  	_ =	shalt  }
0x6a: {  	_ =	shalt  }
0x6b: {  	_ =	shalt  }
0x6c: {  	_ =	shalt  }
0x6d: {  	_ =	shalt  }
0x6e: {  	_ =	shalt  }
0x6f: {  	_ =	shalt  }
0x70: {  	_ =	shalt  }
0x71: {  	_ =	shalt  }
0x72: {  	_ =	shalt  }
0x73: {  	_ =	shalt  }
0x74: {  	_ =	shalt  }
0x75: {  	_ =	shalt  }
0x76: {  	_ =	shalt  }
0x77: {  	_ =	shalt  }
0x78: {  	_ =	shalt  }
0x79: {  	_ =	shalt  }
0x7a: {  	_ =	shalt  }
0x7b: {  	_ =	shalt  }
0x7c: {  	_ =	shalt  }
0x7d: {  	_ =	shalt  }
0x7e: {  	_ =	shalt  }
0x7f: {  	_ =	shalt  }
0x80: {  	_ =	shalt  }
0x81: {  	_ =	shalt  }
0x82: {  	_ =	shalt  }
0x83: {  	_ =	shalt  }
0x84: {  	_ =	shalt  }
0x85: {  	_ =	shalt  }
0x86: {  	_ =	shalt  }
0x87: {  	_ =	shalt  }
.Lfunc_end0:
.L_simem_size_0:
called_computation_lowered:
.L_overlay_start_0:
0x88: {  	s2 =	sld [smem:$0x3FD9]  }
0x89: {  	s3 =	sld [smem:$0x3FFE];
	_ =	sdelay $0x1  }
0x8a: {  	s1 =	srdreg.scid  }
0x8b: {  	s0 =	sand.u32 $0x1, s1  }
0x8c: {  	s17 =	sshll.u32 s0, $0xA;
	s2 =	sadd.s32 s3, s2  }
0x8d: {  	s2 =	sadd.s32 s2, s17  }
0x8e: {  	[smem:$0x3FC4] =	sst s2  }
0x8f: {  	_ = 	snop  }
0x90: {  	s2 =	sld [smem:$0x3FD0];
	(tm) =	ssettm $0x1  }
0x91: {  	s18 =	sld [smem:$0x3FFB];
	_ =	sdelay $0x3  }
0x92: {  	_ =	strace s18  }
0x93: {  	s3 =	sld [smem:$0x3FFC];
	_ =	sdelay $0x3  }
0x94: {  	_ =	strace s3  }
0x95: {  	s3 =	sld [smem:$0x3FFD];
	_ =	sdelay $0x3  }
0x96: {  	_ =	strace s3  }
0x97: {  	_ =	strace $0x8FFFFFFF  }
0x98: {  	s19 =	sld [smem:$0x3FDB];
	_ =	sdelay $0x1  }
0x99: {  	s4 =	simm.s32 $_scs_section_size  }
0x9a: {  	s5 =	simm.s32 $_size__tile_overlayer_lowered;
	s6 =	simm.s32 $_tile_overlayer_lowered  }
0x9b: {  	s22 =	simm.s32 $0x1BFF;
	s21 =	sshll.u32 s6, $0x1;
	s3 =	sadd.s32 s4, s19  }
0x9c: {  	s7 =	simm.s32 $0x0;
	s20 =	sshll.u32 s5, $0x1;
	s5 =	sadd.s32 s21, s3  }
0x9d: {  	[timem:s7], [sflag:s22] =	dma.local [hbm:s5], s20  }
0x9e: {  	_ =	swait.ge [sflag:s22], s20  }
0x9f: {  	s4 =	ssub.s32 $0x0, s20;
	[sflag:s22] =	ssyncset.done $0x0  }
0xa0: {  	[sflag:s22] =	ssyncadd.s32 s4;
	_ =	sdelay $0x1  }
0xa1: {  	s23 =	simm.s32 $0x1B8B  }
0xa2: {  	_ =	swait.ge [sflag:s23], $0x1  }
0xa3: {  	[sflag:s23] =	ssyncset.done $0x0  }
0xa4: {  	s25 =	simm.s32 $0x1B8E;
	s24 =	sld [smem:$0x3FFE];
	[sflag:s23] =	ssyncadd.s32 $0xFFFFFFFF  }
0xa5: {  	s26 =	simm.s32 $execute0_lowered;
	[smem:$0x3FD2] =	sst s25  }
0xa6: {  	s5 =	sshll.u32 s26, $0x1;
	_ =	strace $0x80000046;
	[dreg:$0x1] =	wrdreg $0xFFFFFFFF  }
0xa7: {  	s28 =	simm.s32 $_size_execute0_lowered;
	s3 =	sadd.s32 s3, s5;
	[dreg:$0x0] =	wrdreg $0x0  }
0xa8: {  	s5 =	sshll.u32 s28, $0x1;
	[dreg:$0x2] =	wrdreg s3  }
0xa9: {  	[dreg:$0x3] =	wrdreg s5  }
0xaa: {  	[dreg:$0x4] =	wrdreg $0xC0  }
0xab: {  	_ =	task [dreg:s7], $0x5FFFF  }
0xac: {  	[dreg:$0x1] =	wrdreg $0xFFFFFFFF  }
0xad: {  	[dreg:$0x0] =	wrdreg $0x60  }
0xae: {  	[dreg:$0x2] =	wrdreg s24  }
0xaf: {  	[dreg:$0x3] =	wrdreg s2  }
0xb0: {  	[dreg:$0x4] =	wrdreg $0x2B000  }
0xb1: {  	[dreg:$0x5] =	wrdreg $0x9  }
0xb2: {  	_ =	task.clear_ibuf [dreg:s7], $0x6FFFF;
	_ =	strace $0x90000046  }
0xb3: {  	s29 =	simm.s32 $0x9;
	_ =	strace $0x80000048  }
0xb4: {  	_ =	swait.ge [sflag:s29], $0x1  }
0xb5: {  	[sflag:s29] =	ssyncadd.s32 $0xFFFFFFFF  }
0xb6: {  	_ =	strace $0x90000048  }
0xb7: {  	_ =	sfence  }
0xb8: {  	s30 =	sld [smem:$0x0];
	_ =	sdelay $0x2  }
0xb9: {  	s31 =	sshll.u32 s1, $0xD;
	s1 =	sshrl.u32 s1, $0x2  }
0xba: {  	s3 =	sand.u32 $0x4000, s31;
	s1 =	sadd.s32 s1, s30  }
0xbb: {  	s0 =	sor.u32 s3, s0;
	s1 =	sshll.u32 s1, $0x11  }
0xbc: {  	s0 =	sor.u32 s1, s0  }
0xbd: {  	s0 =	sadd.s32 $0x8F2B, s0  }
0xbe: {  	[sflag:s0] =	ssyncadd.remote.s32 $0x1  }
0xbf: {  	_ =	sfence.sel $0xFFFF  }
0xc0: {  	[dreg:$0x0] =	wrdreg $0xFFFFFFFF;
	(pc) =	sbr.abs _section_cstart, $3  }
0xc1: {  	[dreg:$0x1] =	wrdreg $0xFFFFFFFF  }
0xc2: {  	_ =	task.clear_ibuf [dreg:s7], $0x2FFFF;
	_ =	strace $0x9FFFFFFF  }
0xc3: {  	(tm) =	ssettm $0x7FFFFFFF  }
tec
execute0_lowered:
.L_overlay_start_1:
0x0: {  	(tag) =	ssettag $0x1  }
0x1: {  	s5 =	rddreg [dreg:$0x0]  }
0x2: {  	s6 =	rddreg [dreg:$0x1]  }
0x3: {  	s0 =	srdreg.scid;
	s2 =	rddreg [dreg:$0x2]  }
0x4: {  	s3 =	simm.s32 $0x0;
	s10 =	simm.s32 $0x1;
	s11 =	simm.s32 $0x80  }
0x5: {  	s12 =	simm.s32 $0x2800;
	s4 =	sand.u32 $0x1, s0;
	s0 =	stileid.u32  }
0x6: {  	s13 =	simm.s32 $0x0;
	s1 =	sshll.u32 s4, $0x4;
	s8 =	smul.u32 $0x280, s0  }
0x7: {  	s9 =	smul.u32 $0x2800, s4;
	s4 =	ssub.s32 $0x2, s4;
	s1 =	sor.u32 s0, s1  }
0x8: {  	[smem:$0x7FF] =	sst s3;
	s31 =	sshrl.u32 s4, $0x1;
	s7 =	smul.u32 $0x500, s1  }
0x9: {  	s1 =	rddreg [dreg:$0x3];
	_ =	strace $0x80000047;
	s9 =	sadd.s32 s8, s9  }
0xa: {  	s9 =	sshrl.u32 s9, $0x3;
	s5 =	sadd.s32 s7, s5;
	s7 =	ssub.s32 s4, s31  }
0xb: {  	s6 =	sadd.s32 s6, s9;
	s9 =	simm.s32 $0x2;
	s4 =	sadd.s32 $0x1200, s5  }
0xc: {  	v0 =	vimm.f32 $1.000000000e+00;
	v1 =	vimm.f32 $0.0e+00;
	s5 =	sadd.s32 s8, s2;
	s7 =	smax.u32 s7, $0x1;
	s8 =	simm.s32 $0x2880  }
.LBB2_1:
0xd: {  	[tilespmem:s3], [sflag:$0x1] =	stream.linear.gather [hbm4b:s4+s3], $0x2800, $0x38;
	[tilespmem:$0x2D80] =	vst v63  }
0xe: {  	[tilespmem:$0x2800] =	vst v0  }
0xf: {  	[tilespmem:$0x2810] =	vst v0  }
0x10: {  	[tilespmem:$0x2820] =	vst v0  }
0x11: {  	[tilespmem:$0x2830] =	vst v0  }
0x12: {  	[tilespmem:$0x2840] =	vst v0  }
0x13: {  	[tilespmem:$0x2850] =	vst v0  }
0x14: {  	[tilespmem:$0x2860] =	vst v0  }
0x15: {  	[tilespmem:$0x2870] =	vst v0  }
0x16: {  	[tilespmem:$0x2880] =	vst v1  }
0x17: {  	[tilespmem:$0x2890] =	vst v1  }
0x18: {  	[tilespmem:$0x28A0] =	vst v1  }
0x19: {  	[tilespmem:$0x28B0] =	vst v1  }
0x1a: {  	[tilespmem:$0x28C0] =	vst v1  }
0x1b: {  	[tilespmem:$0x28D0] =	vst v1  }
0x1c: {  	[tilespmem:$0x28E0] =	vst v1  }
0x1d: {  	[tilespmem:$0x28F0] =	vst v1  }
0x1e: {  	[tilespmem:$0x2900] =	vst v1  }
0x1f: {  	[tilespmem:$0x2910] =	vst v1  }
0x20: {  	[tilespmem:$0x2920] =	vst v1  }
0x21: {  	[tilespmem:$0x2930] =	vst v1  }
0x22: {  	[tilespmem:$0x2940] =	vst v1  }
0x23: {  	[tilespmem:$0x2950] =	vst v1  }
0x24: {  	[tilespmem:$0x2960] =	vst v1  }
0x25: {  	[tilespmem:$0x2970] =	vst v1  }
0x26: {  	[tilespmem:$0x2980] =	vst v1  }
0x27: {  	[tilespmem:$0x2990] =	vst v1  }
0x28: {  	[tilespmem:$0x29A0] =	vst v1  }
0x29: {  	[tilespmem:$0x29B0] =	vst v1  }
0x2a: {  	[tilespmem:$0x29C0] =	vst v1  }
0x2b: {  	[tilespmem:$0x29D0] =	vst v1  }
0x2c: {  	[tilespmem:$0x29E0] =	vst v1  }
0x2d: {  	[tilespmem:$0x29F0] =	vst v1  }
0x2e: {  	[tilespmem:$0x2A00] =	vst v1  }
0x2f: {  	[tilespmem:$0x2A10] =	vst v1  }
0x30: {  	[tilespmem:$0x2A20] =	vst v1  }
0x31: {  	[tilespmem:$0x2A30] =	vst v1  }
0x32: {  	[tilespmem:$0x2A40] =	vst v1  }
0x33: {  	[tilespmem:$0x2A50] =	vst v1  }
0x34: {  	[tilespmem:$0x2A60] =	vst v1  }
0x35: {  	[tilespmem:$0x2A70] =	vst v1  }
0x36: {  	[tilespmem:$0x2A80] =	vst v1  }
0x37: {  	[tilespmem:$0x2A90] =	vst v1  }
0x38: {  	[tilespmem:$0x2AA0] =	vst v1  }
0x39: {  	[tilespmem:$0x2AB0] =	vst v1  }
0x3a: {  	[tilespmem:$0x2AC0] =	vst v1  }
0x3b: {  	[tilespmem:$0x2AD0] =	vst v1  }
0x3c: {  	[tilespmem:$0x2AE0] =	vst v1  }
0x3d: {  	[tilespmem:$0x2AF0] =	vst v1  }
0x3e: {  	[spmem:s5] =	stream.linear.scatter [tilespmem:s8], [sflag:$0x2], $0x280, $0x38;
	[tilespmem:$0x2D80] =	vst v63  }
0x3f: {  	_ =	swait.ge [sflag:s9], $0x280  }
0x40: {  	[sflag:s9] =	ssyncset.done $0x0  }
0x41: {  	[sflag:s9] =	ssyncadd.s32 $0xFFFFFD80  }
0x42: {  	_ =	swait.ge [sflag:s10], $0x2800  }
0x43: {  	[sflag:s10] =	ssyncset.done $0x0  }
0x44: {  	[sflag:s10] =	ssyncadd.s32 $0xFFFFD800  }
0x45: {  	s14 =	simm.s32 $0x0;
	[bflag:$0x0] =	sbarrier.arrive $0xFFFF  }
.LBB2_2:
0x46: {  	p0 =	sne.s32 s14, $0x9E00  }
.Ltmp0:
0x47: {  	_ = 	snop;
	(pc) =	sbr.rel @p0 .LBB2_2-.Ltmp0, $3  }
0x48: {  	_ =	sdelay $0x1  }
0x49: {  	s15 =	sshra.s32 s14, $0x2;
	s14 =	sadd.s32 $0x200, s14  }
0x4a: {  	[spmem:s2] =	stream.indirect.scatter.add.f32 [tilespmem:s12], [sflag:$0x1], $0x1, s15, s11, $0xb8;
	[tilespmem:$0x2D80] =	vst v63  }
0x4b: {  	_ =	swait.ge [sflag:s10], $0x80  }
0x4c: {  	s14 =	simm.s32 $0x4F;
	[sflag:s10] =	ssyncset.done $0x0  }
.LBB2_4:
0x4d: {  	p0 =	sne.s32 s14, $0x1;
	s14 =	sadd.s32 $0xFFFFFFFF, s14;
	[sflag:s10] =	ssyncadd.s32 $0xFFFFFF80  }
.Ltmp1:
0x4e: {  	(pc) =	sbr.rel @p0 .LBB2_4-.Ltmp1, $3  }
0x4f: {  	_ =	sdelay $0x1  }
0x50: {  	_ =	swait.ge [sflag:s10], $0x80  }
0x51: {  	[sflag:s10] =	ssyncset.done $0x0  }
0x52: {  	[sflag:s10] =	ssyncadd.s32 $0xFFFFFF80  }
0x53: {  	[bflag:$0x0] =	sbarrier.arrive $0xFFFF  }
0x54: {  	[tilespmem:s8], [sflag:$0x2] =	stream.linear.gather [spmem:s5], $0x280, $0x38;
	[tilespmem:$0x2D80] =	vst v63  }
0x55: {  	s13 =	sadd.s32 $0x1, s13;
	_ =	swait.ge [sflag:s9], $0x280  }
0x56: {  	p0 =	sne.s32 s13, s7;
	[sflag:s9] =	ssyncset.done $0x0  }
.Ltmp2:
0x57: {  	[sflag:s9] =	ssyncadd.s32 $0xFFFFFD80;
	(pc) =	sbr.rel @p0 .LBB2_1-.Ltmp2, $4  }
0x58: {  	[hbm4b:s6+s3] =	stream.linear.scatter [tilespmem:s8], [sflag:$0x2], $0x280, $0x38;
	[tilespmem:$0x2D80] =	vst v63  }
0x59: {  	_ =	swait.ge [sflag:s9], $0x280  }
0x5a: {  	[sflag:s9] =	ssyncset.done $0x0  }
0x5b: {  	[sflag:s9] =	ssyncadd.s32 $0xFFFFFD80  }
0x5c: {  	_ =	sfence.sel $0x180000  }
0x5d: {  	[bflag:$0x0] =	sbarrier.arrive $0xFFFF  }
0x5e: {  	p0 =	sne.s32 s0, $0x0;
	_ =	strace $0x90000047  }
0x5f: {  	s0 =	sadd.s32 @!p0 $0x100000, s1;
	[bflag:$0x2] =	sbarrier.arrive $0xFFFF  }
0x60: {  	[sflag:s0] =	ssyncadd.tile.s32 @!p0 $0x1;
	_ =	shalt  }
.Lfunc_end2:
_tile_overlayer_lowered:
.L_overlay_start_2:
0x61: {  	(tag) =	ssettag $0x2  }
0x62: {  	s0 =	rddreg [dreg:$0x0];
	s2 =	stileid.u32  }
0x63: {  	s1 =	rddreg [dreg:$0x1];
	p0 =	sne.s32 s2, $0x0  }
0x64: {  	s3 =	rddreg [dreg:$0x2];
	[bflag:$0x3] =	sbarrier.arrive $0xFFFF;
	s2 =	simm.s32 @!p0 $0x1C02  }
0x65: {  	[timem:s3], [sflag:s2] =	dma.local @!p0 [hbm:s0], s1  }
0x66: {  	s0 =	simm.s32 @!p0 $0x2  }
0x67: {  	_ =	swait.ge @!p0 [sflag:s0], s1  }
0x68: {  	s1 =	ssub.s32 @!p0 $0x0, s1;
	[sflag:s0] =	ssyncset.done @!p0 $0x0  }
0x69: {  	[sflag:s0] =	ssyncadd.s32 @!p0 s1  }
0x6a: {  	[bflag:$0x3] =	sbarrier.arrive $0xFFFF  }
0x6b: {  	_ =	shalt  }

</sc_bundles>
